<compile_context>
chip_gen: v7x
topology: tpu7x:2x2x1
jax: 0.10.2.dev20260603
libtpu: 0.0.44.dev20260713+nightly
codegen_flags: <defaults>
</compile_context>

<pallas_src>
import functools

import jax
import jax.numpy as jnp
from jax import lax
from jax.experimental import pallas as pl
from jax.experimental.pallas import tpu as pltpu
from jax.experimental.pallas import tpu_sc as plsc

NC = 2
NS = 16
NW = NC * NS
LANES = 16



def _proj_body(w_ref, x_ref, o_ref):
    o_ref[...] = lax.dot_general(
        x_ref[...], w_ref[...],
        dimension_numbers=(((1,), (1,)), ((), ())),
        preferred_element_type=jnp.float32,
    )


def _project_table(word_table, W, block_rows=8192):
    v, ws = word_table.shape
    d = W.shape[0]
    grid = (v + block_rows - 1) // block_rows
    return pl.pallas_call(
        _proj_body,
        grid=(grid,),
        in_specs=[
            pl.BlockSpec((d, ws), lambda i: (0, 0)),
            pl.BlockSpec((block_rows, ws), lambda i: (i, 0)),
        ],
        out_specs=pl.BlockSpec((block_rows, d), lambda i: (i, 0)),
        out_shape=jax.ShapeDtypeStruct((grid * block_rows, d), jnp.float32),
    )(W, word_table)



def _make_sc_gather_add(n_rows, d, chunk=128):
    per_w = n_rows // NW
    n_chunks = per_w // chunk
    n_rounds = n_chunks // 2
    d_vecs = d // LANES
    mesh = plsc.VectorSubcoreMesh(core_axis_name="c", subcore_axis_name="s")

    @functools.partial(
        pl.kernel,
        mesh=mesh,
        out_type=jax.ShapeDtypeStruct((n_rows, d), jnp.float32),
        scratch_types=[
            pltpu.VMEM((per_w,), jnp.int32),
            pltpu.VMEM((per_w,), jnp.int32),
            [pltpu.VMEM((chunk, d), jnp.float32) for _ in range(2)],
            [pltpu.VMEM((chunk, d), jnp.float32) for _ in range(2)],
            [pltpu.VMEM((chunk, d), jnp.float32) for _ in range(2)],
            [pltpu.SemaphoreType.DMA for _ in range(2)],
            [pltpu.SemaphoreType.DMA for _ in range(2)],
            [pltpu.SemaphoreType.DMA for _ in range(2)],
        ],
        compiler_params=pltpu.CompilerParams(use_tc_tiling_on_sc=False),
    )
    def sc_kernel(proj_hbm, ctab_hbm, widx_hbm, cidx_hbm, out_hbm,
                  widx_v, cidx_v, wrows, crows, obuf, gw, gc, ss):
        wid = lax.axis_index("s") * NC + lax.axis_index("c")
        base = wid * per_w
        pltpu.sync_copy(widx_hbm.at[pl.ds(base, per_w)], widx_v)
        pltpu.sync_copy(cidx_hbm.at[pl.ds(base, per_w)], cidx_v)

        def gathers(c, b):
            pltpu.async_copy(
                proj_hbm.at[widx_v.at[pl.ds(c * chunk, chunk)]], wrows[b], gw[b])
            pltpu.async_copy(
                ctab_hbm.at[cidx_v.at[pl.ds(c * chunk, chunk)]], crows[b], gc[b])

        gathers(0, 0)
        gathers(1, 1)

        def round_body(r, carry):
            for b in range(2):
                c = r * 2 + b
                off = c * chunk
                pltpu.make_async_copy(
                    proj_hbm.at[widx_v.at[pl.ds(off, chunk)]], wrows[b], gw[b]
                ).wait()
                pltpu.make_async_copy(
                    ctab_hbm.at[cidx_v.at[pl.ds(off, chunk)]], crows[b], gc[b]
                ).wait()

                @pl.when(r >= 1)
                def _():
                    pltpu.make_async_copy(
                        obuf[b],
                        out_hbm.at[pl.ds(base + off - 2 * chunk, chunk)],
                        ss[b],
                    ).wait()

                def add_row(j, carry2):
                    for k in range(d_vecs):
                        sl = pl.ds(k * LANES, LANES)
                        obuf[b][j, sl] = wrows[b][j, sl] + crows[b][j, sl]
                    return carry2

                lax.fori_loop(0, chunk, add_row, 0, unroll=4)

                @pl.when(r < n_rounds - 1)
                def _():
                    gathers(c + 2, b)

                pltpu.async_copy(
                    obuf[b], out_hbm.at[pl.ds(base + off, chunk)], ss[b])
            return carry

        lax.fori_loop(0, n_rounds, round_body, 0)

        for b in range(2):
            off = (n_chunks - 2 + b) * chunk
            pltpu.make_async_copy(
                obuf[b], out_hbm.at[pl.ds(base + off, chunk)], ss[b]).wait()

    return sc_kernel


def kernel(char_ids, word_ids, char_table, word_table, W):
    b, l = char_ids.shape
    d = char_table.shape[1]
    n = b * l

    proj = _project_table(word_table, W)
    sc = _make_sc_gather_add(n, d)
    out_flat = sc(proj, char_table,
                  word_ids.reshape(-1).astype(jnp.int32),
                  char_ids.reshape(-1).astype(jnp.int32))
    return out_flat.reshape(b, l, d)

# --- scband reference (transcript-rebuilt; emitter-appended) ---
"""Pipeline reference for scband-mix-embedding-32031866093822 (READ-ONLY COPY).

The authoritative reference and input builder live on the scoring server;
editing this copy changes nothing except your own understanding.
"""

import jax, jax.numpy as jnp
import numpy as np

CHAR_VOCAB = 100000
WORD_VOCAB = 1000001  # 1M words + padding row 0
WORD_SIZE = 100
EMB_DIM = 64
B, L = 4096, 200


def setup_inputs(seed: int = 0) -> dict:
    key = jax.random.key(seed)
    k1, k2, k3, k4, k5 = jax.random.split(key, 5)
    char_ids = jax.random.randint(k1, (B, L), 0, CHAR_VOCAB, dtype=jnp.int64) if jax.config.read('jax_enable_x64') else jax.random.randint(k1, (B, L), 0, CHAR_VOCAB, dtype=jnp.int32)
    word_ids = jax.random.randint(k2, (B, L), 0, WORD_VOCAB, dtype=jnp.int32)
    # char embedding: normal(0, 0.1), padding_idx=0 row zeroed
    char_table = jax.random.normal(k3, (CHAR_VOCAB, EMB_DIM), dtype=jnp.float32) * 0.1
    char_table = char_table.at[0].set(0.0)
    # pretrained word2vec table with zero row prepended (frozen)
    word_table = jax.random.normal(k4, (WORD_VOCAB, WORD_SIZE), dtype=jnp.float32)
    word_table = word_table.at[0].set(0.0)
    # word_dense: Linear(word_size -> emb_dim, bias=False), xavier_uniform
    limit = float(np.sqrt(6.0 / (WORD_SIZE + EMB_DIM)))
    W = jax.random.uniform(k5, (EMB_DIM, WORD_SIZE), dtype=jnp.float32, minval=-limit, maxval=limit)
    return {"char_ids": char_ids, "word_ids": word_ids, "char_table": char_table, "word_table": word_table, "W": W}


def reference(char_ids, word_ids, char_table, word_table, W):
    word_emb = jnp.take(word_table, word_ids, axis=0)          # [B, L, WORD_SIZE]
    word_emb = word_emb @ W.T                                   # [B, L, EMB_DIM]
    char_emb = jnp.take(char_table, char_ids, axis=0)           # [B, L, EMB_DIM]
    return char_emb + word_emb

if __name__ == "__main__":
    import jax
    _d = setup_inputs()
    print(jax.jit(kernel)(*tuple(_d.values())))

</pallas_src>

<mosaic_0001>
#map = affine_map<(d0, d1) -> (0, 0)>
#map1 = affine_map<(d0, d1) -> (0)>
module attributes {stable_mosaic.version = 14 : i64} {
  func.func @sc_kernel(%arg0: i32, %arg1: i32, %arg2: memref<1007616x64xf32, #tpu.memory_space<hbm>>, %arg3: memref<100000x64xf32, #tpu.memory_space<hbm>>, %arg4: memref<819200xi32, #tpu.memory_space<hbm>>, %arg5: memref<819200xi32, #tpu.memory_space<hbm>>, %arg6: memref<819200x64xf32, #tpu.memory_space<hbm>>, %arg7: memref<25600xi32, #tpu.memory_space<vmem>>, %arg8: memref<25600xi32, #tpu.memory_space<vmem>>, %arg9: memref<128x64xf32, #tpu.memory_space<vmem>>, %arg10: memref<128x64xf32, #tpu.memory_space<vmem>>, %arg11: memref<128x64xf32, #tpu.memory_space<vmem>>, %arg12: memref<128x64xf32, #tpu.memory_space<vmem>>, %arg13: memref<128x64xf32, #tpu.memory_space<vmem>>, %arg14: memref<128x64xf32, #tpu.memory_space<vmem>>, %arg15: memref<!tpu.dma_semaphore, #tpu.memory_space<semaphore_mem>>, %arg16: memref<!tpu.dma_semaphore, #tpu.memory_space<semaphore_mem>>, %arg17: memref<!tpu.dma_semaphore, #tpu.memory_space<semaphore_mem>>, %arg18: memref<!tpu.dma_semaphore, #tpu.memory_space<semaphore_mem>>, %arg19: memref<!tpu.dma_semaphore, #tpu.memory_space<semaphore_mem>>, %arg20: memref<!tpu.dma_semaphore, #tpu.memory_space<semaphore_mem>>) attributes {dimension_semantics = [#tpu.dimension_semantics<core_parallel>, #tpu.dimension_semantics<subcore_parallel>], iteration_bounds = array<i64: 2, 16>, scalar_prefetch = 0 : i64, scratch_operands = 14 : i64, tpu.core_type = #tpu.core_type<sc_vector_subcore>, window_params = [{transform_indices = #map}, {transform_indices = #map}, {transform_indices = #map1}, {transform_indices = #map1}, {transform_indices = #map}]} {
    %mul3A = arith.constant 2 : i32
    %mul3A_0 = arith.muli %arg1, %mul3A : i32
    %add3A = arith.addi %mul3A_0, %arg0 : i32
    %mul3A_1 = arith.constant 25600 : i32
    %mul3A_2 = arith.muli %add3A, %mul3A_1 : i32
    "tpu.region"() ({
      %run_scoped3A = tpu.sem_alloc : memref<!tpu.dma_semaphore, #tpu.memory_space<semaphore_mem>>
      %dma_start3A_38 = tpu.memref_slice %arg4[%mul3A_2] : memref<819200xi32, #tpu.memory_space<hbm>> -> memref<25600xi32, #tpu.memory_space<hbm>>
      %dma_start3A_39 = tpu.memref_slice %arg4[%mul3A_2] : memref<819200xi32, #tpu.memory_space<hbm>> -> memref<25600xi32, #tpu.memory_space<hbm>>
      tpu.enqueue_dma source(%dma_start3A_39 : memref<25600xi32, #tpu.memory_space<hbm>>) target(%arg7 : memref<25600xi32, #tpu.memory_space<vmem>>) target_semaphore(%run_scoped3A : memref<!tpu.dma_semaphore, #tpu.memory_space<semaphore_mem>>)
      %dma_wait3A_40 = tpu.memref_slice %arg4[%mul3A_2] : memref<819200xi32, #tpu.memory_space<hbm>> -> memref<25600xi32, #tpu.memory_space<hbm>>
      %dma_wait3A_41 = tpu.memref_slice %arg4[%mul3A_2] : memref<819200xi32, #tpu.memory_space<hbm>> -> memref<25600xi32, #tpu.memory_space<hbm>>
      tpu.wait_dma2 semaphore(%run_scoped3A : memref<!tpu.dma_semaphore, #tpu.memory_space<semaphore_mem>>) src(%dma_wait3A_41 : memref<25600xi32, #tpu.memory_space<hbm>>) dst(%arg7 : memref<25600xi32, #tpu.memory_space<vmem>>)
      tpu.yield
    }) : () -> ()
    "tpu.region"() ({
      %run_scoped3A = tpu.sem_alloc : memref<!tpu.dma_semaphore, #tpu.memory_space<semaphore_mem>>
      %dma_start3A_38 = tpu.memref_slice %arg5[%mul3A_2] : memref<819200xi32, #tpu.memory_space<hbm>> -> memref<25600xi32, #tpu.memory_space<hbm>>
      %dma_start3A_39 = tpu.memref_slice %arg5[%mul3A_2] : memref<819200xi32, #tpu.memory_space<hbm>> -> memref<25600xi32, #tpu.memory_space<hbm>>
      tpu.enqueue_dma source(%dma_start3A_39 : memref<25600xi32, #tpu.memory_space<hbm>>) target(%arg8 : memref<25600xi32, #tpu.memory_space<vmem>>) target_semaphore(%run_scoped3A : memref<!tpu.dma_semaphore, #tpu.memory_space<semaphore_mem>>)
      %dma_wait3A_40 = tpu.memref_slice %arg5[%mul3A_2] : memref<819200xi32, #tpu.memory_space<hbm>> -> memref<25600xi32, #tpu.memory_space<hbm>>
      %dma_wait3A_41 = tpu.memref_slice %arg5[%mul3A_2] : memref<819200xi32, #tpu.memory_space<hbm>> -> memref<25600xi32, #tpu.memory_space<hbm>>
      tpu.wait_dma2 semaphore(%run_scoped3A : memref<!tpu.dma_semaphore, #tpu.memory_space<semaphore_mem>>) src(%dma_wait3A_41 : memref<25600xi32, #tpu.memory_space<hbm>>) dst(%arg8 : memref<25600xi32, #tpu.memory_space<vmem>>)
      tpu.yield
    }) : () -> ()
    %dma_start3A = arith.constant 0 : i32
    %dma_start3A_3 = tpu.memref_slice %arg7[%dma_start3A] : memref<25600xi32, #tpu.memory_space<vmem>> -> memref<128xi32, #tpu.memory_space<vmem>>
    %dma_start3A_4 = arith.constant 0 : i32
    %dma_start3A_5 = arith.constant 0 : i32
    %dma_start3A_6 = tpu.memref_slice %arg2[%dma_start3A_4, %dma_start3A_5] : memref<1007616x64xf32, #tpu.memory_space<hbm>> -> memref<1007616x64xf32, #tpu.memory_space<hbm>>
    tpu.enqueue_indirect_dma source(%dma_start3A_6 : memref<1007616x64xf32, #tpu.memory_space<hbm>>) target(%arg9 : memref<128x64xf32, #tpu.memory_space<vmem>>) offsets(%dma_start3A_3 : memref<128xi32, #tpu.memory_space<vmem>>) semaphore(%arg15 : memref<!tpu.dma_semaphore, #tpu.memory_space<semaphore_mem>>)
    %dma_start3A_7 = arith.constant 0 : i32
    %dma_start3A_8 = tpu.memref_slice %arg8[%dma_start3A_7] : memref<25600xi32, #tpu.memory_space<vmem>> -> memref<128xi32, #tpu.memory_space<vmem>>
    %dma_start3A_9 = arith.constant 0 : i32
    %dma_start3A_10 = arith.constant 0 : i32
    %dma_start3A_11 = tpu.memref_slice %arg3[%dma_start3A_9, %dma_start3A_10] : memref<100000x64xf32, #tpu.memory_space<hbm>> -> memref<100000x64xf32, #tpu.memory_space<hbm>>
    tpu.enqueue_indirect_dma source(%dma_start3A_11 : memref<100000x64xf32, #tpu.memory_space<hbm>>) target(%arg11 : memref<128x64xf32, #tpu.memory_space<vmem>>) offsets(%dma_start3A_8 : memref<128xi32, #tpu.memory_space<vmem>>) semaphore(%arg17 : memref<!tpu.dma_semaphore, #tpu.memory_space<semaphore_mem>>)
    %dma_start3A_12 = arith.constant 128 : i32
    %dma_start3A_13 = tpu.memref_slice %arg7[%dma_start3A_12] : memref<25600xi32, #tpu.memory_space<vmem>> -> memref<128xi32, #tpu.memory_space<vmem>>
    %dma_start3A_14 = arith.constant 0 : i32
    %dma_start3A_15 = arith.constant 0 : i32
    %dma_start3A_16 = tpu.memref_slice %arg2[%dma_start3A_14, %dma_start3A_15] : memref<1007616x64xf32, #tpu.memory_space<hbm>> -> memref<1007616x64xf32, #tpu.memory_space<hbm>>
    tpu.enqueue_indirect_dma source(%dma_start3A_16 : memref<1007616x64xf32, #tpu.memory_space<hbm>>) target(%arg10 : memref<128x64xf32, #tpu.memory_space<vmem>>) offsets(%dma_start3A_13 : memref<128xi32, #tpu.memory_space<vmem>>) semaphore(%arg16 : memref<!tpu.dma_semaphore, #tpu.memory_space<semaphore_mem>>)
    %dma_start3A_17 = arith.constant 128 : i32
    %dma_start3A_18 = tpu.memref_slice %arg8[%dma_start3A_17] : memref<25600xi32, #tpu.memory_space<vmem>> -> memref<128xi32, #tpu.memory_space<vmem>>
    %dma_start3A_19 = arith.constant 0 : i32
    %dma_start3A_20 = arith.constant 0 : i32
    %dma_start3A_21 = tpu.memref_slice %arg3[%dma_start3A_19, %dma_start3A_20] : memref<100000x64xf32, #tpu.memory_space<hbm>> -> memref<100000x64xf32, #tpu.memory_space<hbm>>
    tpu.enqueue_indirect_dma source(%dma_start3A_21 : memref<100000x64xf32, #tpu.memory_space<hbm>>) target(%arg12 : memref<128x64xf32, #tpu.memory_space<vmem>>) offsets(%dma_start3A_18 : memref<128xi32, #tpu.memory_space<vmem>>) semaphore(%arg18 : memref<!tpu.dma_semaphore, #tpu.memory_space<semaphore_mem>>)
    %scan3A = arith.constant 0 : i32
    %scan3A_22 = arith.constant 0 : i32
    %scan3A_23 = arith.constant 100 : i32
    %scan3A_24 = arith.addi %scan3A_22, %scan3A_23 : i32
    %scan3A_25 = arith.constant 1 : i32
    scf.for %scan3A_38 = %scan3A_22 to %scan3A_24 step %scan3A_25  : i32 {
      %mul3A_39 = arith.constant 2 : i32
      %mul3A_40 = arith.muli %scan3A_38, %mul3A_39 : i32
      %add3A_41 = arith.constant 0 : i32
      %add3A_42 = arith.addi %mul3A_40, %add3A_41 : i32
      %mul3A_43 = arith.constant 128 : i32
      %mul3A_44 = arith.muli %add3A_42, %mul3A_43 : i32
      %dma_wait3A_45 = tpu.memref_slice %arg7[%mul3A_44] : memref<25600xi32, #tpu.memory_space<vmem>> -> memref<128xi32, #tpu.memory_space<vmem>>
      %dma_wait3A_46 = arith.constant 0 : i32
      %dma_wait3A_47 = arith.constant 0 : i32
      %dma_wait3A_48 = tpu.memref_slice %arg2[%dma_wait3A_46, %dma_wait3A_47] : memref<1007616x64xf32, #tpu.memory_space<hbm>> -> memref<1007616x64xf32, #tpu.memory_space<hbm>>
      tpu.wait_indirect_dma semaphore(%arg15 : memref<!tpu.dma_semaphore, #tpu.memory_space<semaphore_mem>>) src(%dma_wait3A_48 : memref<1007616x64xf32, #tpu.memory_space<hbm>>) dst(%arg9 : memref<128x64xf32, #tpu.memory_space<vmem>>)
      %dma_wait3A_49 = tpu.memref_slice %arg8[%mul3A_44] : memref<25600xi32, #tpu.memory_space<vmem>> -> memref<128xi32, #tpu.memory_space<vmem>>
      %dma_wait3A_50 = arith.constant 0 : i32
      %dma_wait3A_51 = arith.constant 0 : i32
      %dma_wait3A_52 = tpu.memref_slice %arg3[%dma_wait3A_50, %dma_wait3A_51] : memref<100000x64xf32, #tpu.memory_space<hbm>> -> memref<100000x64xf32, #tpu.memory_space<hbm>>
      tpu.wait_indirect_dma semaphore(%arg17 : memref<!tpu.dma_semaphore, #tpu.memory_space<semaphore_mem>>) src(%dma_wait3A_52 : memref<100000x64xf32, #tpu.memory_space<hbm>>) dst(%arg11 : memref<128x64xf32, #tpu.memory_space<vmem>>)
      %ge3A = arith.constant 1 : i32
      %ge3A_53 = arith.cmpi sge, %scan3A_38, %ge3A : i32
      %convert_element_type3A = arith.extui %ge3A_53 : i1 to i32
      %cond3A = arith.constant 0 : i32
      %cond3A_54 = arith.cmpi ne, %convert_element_type3A, %cond3A : i32
      scf.if %cond3A_54 {
        %add3A_105 = arith.addi %mul3A_2, %mul3A_44 : i32
        %sub3A = arith.constant 256 : i32
        %sub3A_106 = arith.subi %add3A_105, %sub3A : i32
        %dma_wait3A_107 = arith.constant 0 : i32
        %dma_wait3A_108 = tpu.memref_slice %arg6[%sub3A_106, %dma_wait3A_107] : memref<819200x64xf32, #tpu.memory_space<hbm>> -> memref<128x64xf32, #tpu.memory_space<hbm>>
        %dma_wait3A_109 = arith.constant 0 : i32
        %dma_wait3A_110 = tpu.memref_slice %arg6[%sub3A_106, %dma_wait3A_109] : memref<819200x64xf32, #tpu.memory_space<hbm>> -> memref<128x64xf32, #tpu.memory_space<hbm>>
        tpu.wait_dma2 semaphore(%arg19 : memref<!tpu.dma_semaphore, #tpu.memory_space<semaphore_mem>>) src(%arg13 : memref<128x64xf32, #tpu.memory_space<vmem>>) dst(%dma_wait3A_110 : memref<128x64xf32, #tpu.memory_space<hbm>>)
      } else {
      }
      %scan3A_55 = arith.constant 0 : i32
      %scan3A_56 = arith.constant 0 : i32
      %scan3A_57 = arith.constant 128 : i32
      %scan3A_58 = arith.addi %scan3A_56, %scan3A_57 : i32
      %scan3A_59 = arith.constant 4 : i32
      scf.for %scan3A_105 = %scan3A_56 to %scan3A_58 step %scan3A_59  : i32 {
        %get3A = arith.index_cast %scan3A_105 : i32 to index
        %get3A_106 = arith.constant 0 : index
        %get3A_107 = tpu.vector_load %arg9[%get3A, %get3A_106] {strides = array<i32>} : memref<128x64xf32, #tpu.memory_space<vmem>>, vector<1x16xf32>,
        %get3A_108 = vector.shape_cast %get3A_107 : vector<1x16xf32> to vector<16xf32>
        %get3A_109 = arith.index_cast %scan3A_105 : i32 to index
        %get3A_110 = arith.constant 0 : index
        %get3A_111 = tpu.vector_load %arg11[%get3A_109, %get3A_110] {strides = array<i32>} : memref<128x64xf32, #tpu.memory_space<vmem>>, vector<1x16xf32>,
        %get3A_112 = vector.shape_cast %get3A_111 : vector<1x16xf32> to vector<16xf32>
        %add3A_113 = arith.addf %get3A_108, %get3A_112 : vector<16xf32>
        %swap3A = arith.index_cast %scan3A_105 : i32 to index
        %swap3A_114 = arith.constant 0 : index
        %swap3A_115 = tpu.vector_load %arg13[%swap3A, %swap3A_114] {strides = array<i32>} : memref<128x64xf32, #tpu.memory_space<vmem>>, vector<1x16xf32>,
        %swap3A_116 = vector.shape_cast %swap3A_115 : vector<1x16xf32> to vector<16xf32>
        %swap3A_117 = vector.shape_cast %add3A_113 : vector<16xf32> to vector<1x16xf32>
        tpu.vector_store %arg13[%swap3A, %swap3A_114], %swap3A_117 {strides = array<i32>} : memref<128x64xf32, #tpu.memory_space<vmem>>, vector<1x16xf32>,
        %get3A_118 = arith.index_cast %scan3A_105 : i32 to index
        %get3A_119 = arith.constant 16 : index
        %get3A_120 = tpu.vector_load %arg9[%get3A_118, %get3A_119] {strides = array<i32>} : memref<128x64xf32, #tpu.memory_space<vmem>>, vector<1x16xf32>,
        %get3A_121 = vector.shape_cast %get3A_120 : vector<1x16xf32> to vector<16xf32>
        %get3A_122 = arith.index_cast %scan3A_105 : i32 to index
        %get3A_123 = arith.constant 16 : index
        %get3A_124 = tpu.vector_load %arg11[%get3A_122, %get3A_123] {strides = array<i32>} : memref<128x64xf32, #tpu.memory_space<vmem>>, vector<1x16xf32>,
        %get3A_125 = vector.shape_cast %get3A_124 : vector<1x16xf32> to vector<16xf32>
        %add3A_126 = arith.addf %get3A_121, %get3A_125 : vector<16xf32>
        %swap3A_127 = arith.index_cast %scan3A_105 : i32 to index
        %swap3A_128 = arith.constant 16 : index
        %swap3A_129 = tpu.vector_load %arg13[%swap3A_127, %swap3A_128] {strides = array<i32>} : memref<128x64xf32, #tpu.memory_space<vmem>>, vector<1x16xf32>,
        %swap3A_130 = vector.shape_cast %swap3A_129 : vector<1x16xf32> to vector<16xf32>
        %swap3A_131 = vector.shape_cast %add3A_126 : vector<16xf32> to vector<1x16xf32>
        tpu.vector_store %arg13[%swap3A_127, %swap3A_128], %swap3A_131 {strides = array<i32>} : memref<128x64xf32, #tpu.memory_space<vmem>>, vector<1x16xf32>,
        %get3A_132 = arith.index_cast %scan3A_105 : i32 to index
        %get3A_133 = arith.constant 32 : index
        %get3A_134 = tpu.vector_load %arg9[%get3A_132, %get3A_133] {strides = array<i32>} : memref<128x64xf32, #tpu.memory_space<vmem>>, vector<1x16xf32>,
        %get3A_135 = vector.shape_cast %get3A_134 : vector<1x16xf32> to vector<16xf32>
        %get3A_136 = arith.index_cast %scan3A_105 : i32 to index
        %get3A_137 = arith.constant 32 : index
        %get3A_138 = tpu.vector_load %arg11[%get3A_136, %get3A_137] {strides = array<i32>} : memref<128x64xf32, #tpu.memory_space<vmem>>, vector<1x16xf32>,
        %get3A_139 = vector.shape_cast %get3A_138 : vector<1x16xf32> to vector<16xf32>
        %add3A_140 = arith.addf %get3A_135, %get3A_139 : vector<16xf32>
        %swap3A_141 = arith.index_cast %scan3A_105 : i32 to index
        %swap3A_142 = arith.constant 32 : index
        %swap3A_143 = tpu.vector_load %arg13[%swap3A_141, %swap3A_142] {strides = array<i32>} : memref<128x64xf32, #tpu.memory_space<vmem>>, vector<1x16xf32>,
        %swap3A_144 = vector.shape_cast %swap3A_143 : vector<1x16xf32> to vector<16xf32>
        %swap3A_145 = vector.shape_cast %add3A_140 : vector<16xf32> to vector<1x16xf32>
        tpu.vector_store %arg13[%swap3A_141, %swap3A_142], %swap3A_145 {strides = array<i32>} : memref<128x64xf32, #tpu.memory_space<vmem>>, vector<1x16xf32>,
        %get3A_146 = arith.index_cast %scan3A_105 : i32 to index
        %get3A_147 = arith.constant 48 : index
        %get3A_148 = tpu.vector_load %arg9[%get3A_146, %get3A_147] {strides = array<i32>} : memref<128x64xf32, #tpu.memory_space<vmem>>, vector<1x16xf32>,
        %get3A_149 = vector.shape_cast %get3A_148 : vector<1x16xf32> to vector<16xf32>
        %get3A_150 = arith.index_cast %scan3A_105 : i32 to index
        %get3A_151 = arith.constant 48 : index
        %get3A_152 = tpu.vector_load %arg11[%get3A_150, %get3A_151] {strides = array<i32>} : memref<128x64xf32, #tpu.memory_space<vmem>>, vector<1x16xf32>,
        %get3A_153 = vector.shape_cast %get3A_152 : vector<1x16xf32> to vector<16xf32>
        %add3A_154 = arith.addf %get3A_149, %get3A_153 : vector<16xf32>
        %swap3A_155 = arith.index_cast %scan3A_105 : i32 to index
        %swap3A_156 = arith.constant 48 : index
        %swap3A_157 = tpu.vector_load %arg13[%swap3A_155, %swap3A_156] {strides = array<i32>} : memref<128x64xf32, #tpu.memory_space<vmem>>, vector<1x16xf32>,
        %swap3A_158 = vector.shape_cast %swap3A_157 : vector<1x16xf32> to vector<16xf32>
        %swap3A_159 = vector.shape_cast %add3A_154 : vector<16xf32> to vector<1x16xf32>
        tpu.vector_store %arg13[%swap3A_155, %swap3A_156], %swap3A_159 {strides = array<i32>} : memref<128x64xf32, #tpu.memory_space<vmem>>, vector<1x16xf32>,
        %scan3A_160 = arith.constant 1 : i32
        %scan3A_161 = arith.addi %scan3A_105, %scan3A_160 : i32
        %get3A_162 = arith.index_cast %scan3A_161 : i32 to index
        %get3A_163 = arith.constant 0 : index
        %get3A_164 = tpu.vector_load %arg9[%get3A_162, %get3A_163] {strides = array<i32>} : memref<128x64xf32, #tpu.memory_space<vmem>>, vector<1x16xf32>,
        %get3A_165 = vector.shape_cast %get3A_164 : vector<1x16xf32> to vector<16xf32>
        %get3A_166 = arith.index_cast %scan3A_161 : i32 to index
        %get3A_167 = arith.constant 0 : index
        %get3A_168 = tpu.vector_load %arg11[%get3A_166, %get3A_167] {strides = array<i32>} : memref<128x64xf32, #tpu.memory_space<vmem>>, vector<1x16xf32>,
        %get3A_169 = vector.shape_cast %get3A_168 : vector<1x16xf32> to vector<16xf32>
        %add3A_170 = arith.addf %get3A_165, %get3A_169 : vector<16xf32>
        %swap3A_171 = arith.index_cast %scan3A_161 : i32 to index
        %swap3A_172 = arith.constant 0 : index
        %swap3A_173 = tpu.vector_load %arg13[%swap3A_171, %swap3A_172] {strides = array<i32>} : memref<128x64xf32, #tpu.memory_space<vmem>>, vector<1x16xf32>,
        %swap3A_174 = vector.shape_cast %swap3A_173 : vector<1x16xf32> to vector<16xf32>
        %swap3A_175 = vector.shape_cast %add3A_170 : vector<16xf32> to vector<1x16xf32>
        tpu.vector_store %arg13[%swap3A_171, %swap3A_172], %swap3A_175 {strides = array<i32>} : memref<128x64xf32, #tpu.memory_space<vmem>>, vector<1x16xf32>,
        %get3A_176 = arith.index_cast %scan3A_161 : i32 to index
        %get3A_177 = arith.constant 16 : index
        %get3A_178 = tpu.vector_load %arg9[%get3A_176, %get3A_177] {strides = array<i32>} : memref<128x64xf32, #tpu.memory_space<vmem>>, vector<1x16xf32>,
        %get3A_179 = vector.shape_cast %get3A_178 : vector<1x16xf32> to vector<16xf32>
        %get3A_180 = arith.index_cast %scan3A_161 : i32 to index
        %get3A_181 = arith.constant 16 : index
        %get3A_182 = tpu.vector_load %arg11[%get3A_180, %get3A_181] {strides = array<i32>} : memref<128x64xf32, #tpu.memory_space<vmem>>, vector<1x16xf32>,
        %get3A_183 = vector.shape_cast %get3A_182 : vector<1x16xf32> to vector<16xf32>
        %add3A_184 = arith.addf %get3A_179, %get3A_183 : vector<16xf32>
        %swap3A_185 = arith.index_cast %scan3A_161 : i32 to index
        %swap3A_186 = arith.constant 16 : index
        %swap3A_187 = tpu.vector_load %arg13[%swap3A_185, %swap3A_186] {strides = array<i32>} : memref<128x64xf32, #tpu.memory_space<vmem>>, vector<1x16xf32>,
        %swap3A_188 = vector.shape_cast %swap3A_187 : vector<1x16xf32> to vector<16xf32>
        %swap3A_189 = vector.shape_cast %add3A_184 : vector<16xf32> to vector<1x16xf32>
        tpu.vector_store %arg13[%swap3A_185, %swap3A_186], %swap3A_189 {strides = array<i32>} : memref<128x64xf32, #tpu.memory_space<vmem>>, vector<1x16xf32>,
        %get3A_190 = arith.index_cast %scan3A_161 : i32 to index
        %get3A_191 = arith.constant 32 : index
        %get3A_192 = tpu.vector_load %arg9[%get3A_190, %get3A_191] {strides = array<i32>} : memref<128x64xf32, #tpu.memory_space<vmem>>, vector<1x16xf32>,
        %get3A_193 = vector.shape_cast %get3A_192 : vector<1x16xf32> to vector<16xf32>
        %get3A_194 = arith.index_cast %scan3A_161 : i32 to index
        %get3A_195 = arith.constant 32 : index
        %get3A_196 = tpu.vector_load %arg11[%get3A_194, %get3A_195] {strides = array<i32>} : memref<128x64xf32, #tpu.memory_space<vmem>>, vector<1x16xf32>,
        %get3A_197 = vector.shape_cast %get3A_196 : vector<1x16xf32> to vector<16xf32>
        %add3A_198 = arith.addf %get3A_193, %get3A_197 : vector<16xf32>
        %swap3A_199 = arith.index_cast %scan3A_161 : i32 to index
        %swap3A_200 = arith.constant 32 : index
        %swap3A_201 = tpu.vector_load %arg13[%swap3A_199, %swap3A_200] {strides = array<i32>} : memref<128x64xf32, #tpu.memory_space<vmem>>, vector<1x16xf32>,
        %swap3A_202 = vector.shape_cast %swap3A_201 : vector<1x16xf32> to vector<16xf32>
        %swap3A_203 = vector.shape_cast %add3A_198 : vector<16xf32> to vector<1x16xf32>
        tpu.vector_store %arg13[%swap3A_199, %swap3A_200], %swap3A_203 {strides = array<i32>} : memref<128x64xf32, #tpu.memory_space<vmem>>, vector<1x16xf32>,
        %get3A_204 = arith.index_cast %scan3A_161 : i32 to index
        %get3A_205 = arith.constant 48 : index
        %get3A_206 = tpu.vector_load %arg9[%get3A_204, %get3A_205] {strides = array<i32>} : memref<128x64xf32, #tpu.memory_space<vmem>>, vector<1x16xf32>,
        %get3A_207 = vector.shape_cast %get3A_206 : vector<1x16xf32> to vector<16xf32>
        %get3A_208 = arith.index_cast %scan3A_161 : i32 to index
        %get3A_209 = arith.constant 48 : index
        %get3A_210 = tpu.vector_load %arg11[%get3A_208, %get3A_209] {strides = array<i32>} : memref<128x64xf32, #tpu.memory_space<vmem>>, vector<1x16xf32>,
        %get3A_211 = vector.shape_cast %get3A_210 : vector<1x16xf32> to vector<16xf32>
        %add3A_212 = arith.addf %get3A_207, %get3A_211 : vector<16xf32>
        %swap3A_213 = arith.index_cast %scan3A_161 : i32 to index
        %swap3A_214 = arith.constant 48 : index
        %swap3A_215 = tpu.vector_load %arg13[%swap3A_213, %swap3A_214] {strides = array<i32>} : memref<128x64xf32, #tpu.memory_space<vmem>>, vector<1x16xf32>,
        %swap3A_216 = vector.shape_cast %swap3A_215 : vector<1x16xf32> to vector<16xf32>
        %swap3A_217 = vector.shape_cast %add3A_212 : vector<16xf32> to vector<1x16xf32>
        tpu.vector_store %arg13[%swap3A_213, %swap3A_214], %swap3A_217 {strides = array<i32>} : memref<128x64xf32, #tpu.memory_space<vmem>>, vector<1x16xf32>,
        %scan3A_218 = arith.constant 2 : i32
        %scan3A_219 = arith.addi %scan3A_105, %scan3A_218 : i32
        %get3A_220 = arith.index_cast %scan3A_219 : i32 to index
        %get3A_221 = arith.constant 0 : index
        %get3A_222 = tpu.vector_load %arg9[%get3A_220, %get3A_221] {strides = array<i32>} : memref<128x64xf32, #tpu.memory_space<vmem>>, vector<1x16xf32>,
        %get3A_223 = vector.shape_cast %get3A_222 : vector<1x16xf32> to vector<16xf32>
        %get3A_224 = arith.index_cast %scan3A_219 : i32 to index
        %get3A_225 = arith.constant 0 : index
        %get3A_226 = tpu.vector_load %arg11[%get3A_224, %get3A_225] {strides = array<i32>} : memref<128x64xf32, #tpu.memory_space<vmem>>, vector<1x16xf32>,
        %get3A_227 = vector.shape_cast %get3A_226 : vector<1x16xf32> to vector<16xf32>
        %add3A_228 = arith.addf %get3A_223, %get3A_227 : vector<16xf32>
        %swap3A_229 = arith.index_cast %scan3A_219 : i32 to index
        %swap3A_230 = arith.constant 0 : index
        %swap3A_231 = tpu.vector_load %arg13[%swap3A_229, %swap3A_230] {strides = array<i32>} : memref<128x64xf32, #tpu.memory_space<vmem>>, vector<1x16xf32>,
        %swap3A_232 = vector.shape_cast %swap3A_231 : vector<1x16xf32> to vector<16xf32>
        %swap3A_233 = vector.shape_cast %add3A_228 : vector<16xf32> to vector<1x16xf32>
        tpu.vector_store %arg13[%swap3A_229, %swap3A_230], %swap3A_233 {strides = array<i32>} : memref<128x64xf32, #tpu.memory_space<vmem>>, vector<1x16xf32>,
        %get3A_234 = arith.index_cast %scan3A_219 : i32 to index
        %get3A_235 = arith.constant 16 : index
        %get3A_236 = tpu.vector_load %arg9[%get3A_234, %get3A_235] {strides = array<i32>} : memref<128x64xf32, #tpu.memory_space<vmem>>, vector<1x16xf32>,
        %get3A_237 = vector.shape_cast %get3A_236 : vector<1x16xf32> to vector<16xf32>
        %get3A_238 = arith.index_cast %scan3A_219 : i32 to index
        %get3A_239 = arith.constant 16 : index
        %get3A_240 = tpu.vector_load %arg11[%get3A_238, %get3A_239] {strides = array<i32>} : memref<128x64xf32, #tpu.memory_space<vmem>>, vector<1x16xf32>,
        %get3A_241 = vector.shape_cast %get3A_240 : vector<1x16xf32> to vector<16xf32>
        %add3A_242 = arith.addf %get3A_237, %get3A_241 : vector<16xf32>
        %swap3A_243 = arith.index_cast %scan3A_219 : i32 to index
        %swap3A_244 = arith.constant 16 : index
        %swap3A_245 = tpu.vector_load %arg13[%swap3A_243, %swap3A_244] {strides = array<i32>} : memref<128x64xf32, #tpu.memory_space<vmem>>, vector<1x16xf32>,
        %swap3A_246 = vector.shape_cast %swap3A_245 : vector<1x16xf32> to vector<16xf32>
        %swap3A_247 = vector.shape_cast %add3A_242 : vector<16xf32> to vector<1x16xf32>
        tpu.vector_store %arg13[%swap3A_243, %swap3A_244], %swap3A_247 {strides = array<i32>} : memref<128x64xf32, #tpu.memory_space<vmem>>, vector<1x16xf32>,
        %get3A_248 = arith.index_cast %scan3A_219 : i32 to index
        %get3A_249 = arith.constant 32 : index
        %get3A_250 = tpu.vector_load %arg9[%get3A_248, %get3A_249] {strides = array<i32>} : memref<128x64xf32, #tpu.memory_space<vmem>>, vector<1x16xf32>,
        %get3A_251 = vector.shape_cast %get3A_250 : vector<1x16xf32> to vector<16xf32>
        %get3A_252 = arith.index_cast %scan3A_219 : i32 to index
        %get3A_253 = arith.constant 32 : index
        %get3A_254 = tpu.vector_load %arg11[%get3A_252, %get3A_253] {strides = array<i32>} : memref<128x64xf32, #tpu.memory_space<vmem>>, vector<1x16xf32>,
        %get3A_255 = vector.shape_cast %get3A_254 : vector<1x16xf32> to vector<16xf32>
        %add3A_256 = arith.addf %get3A_251, %get3A_255 : vector<16xf32>
        %swap3A_257 = arith.index_cast %scan3A_219 : i32 to index
        %swap3A_258 = arith.constant 32 : index
        %swap3A_259 = tpu.vector_load %arg13[%swap3A_257, %swap3A_258] {strides = array<i32>} : memref<128x64xf32, #tpu.memory_space<vmem>>, vector<1x16xf32>,
        %swap3A_260 = vector.shape_cast %swap3A_259 : vector<1x16xf32> to vector<16xf32>
        %swap3A_261 = vector.shape_cast %add3A_256 : vector<16xf32> to vector<1x16xf32>
        tpu.vector_store %arg13[%swap3A_257, %swap3A_258], %swap3A_261 {strides = array<i32>} : memref<128x64xf32, #tpu.memory_space<vmem>>, vector<1x16xf32>,
        %get3A_262 = arith.index_cast %scan3A_219 : i32 to index
        %get3A_263 = arith.constant 48 : index
        %get3A_264 = tpu.vector_load %arg9[%get3A_262, %get3A_263] {strides = array<i32>} : memref<128x64xf32, #tpu.memory_space<vmem>>, vector<1x16xf32>,
        %get3A_265 = vector.shape_cast %get3A_264 : vector<1x16xf32> to vector<16xf32>
        %get3A_266 = arith.index_cast %scan3A_219 : i32 to index
        %get3A_267 = arith.constant 48 : index
        %get3A_268 = tpu.vector_load %arg11[%get3A_266, %get3A_267] {strides = array<i32>} : memref<128x64xf32, #tpu.memory_space<vmem>>, vector<1x16xf32>,
        %get3A_269 = vector.shape_cast %get3A_268 : vector<1x16xf32> to vector<16xf32>
        %add3A_270 = arith.addf %get3A_265, %get3A_269 : vector<16xf32>
        %swap3A_271 = arith.index_cast %scan3A_219 : i32 to index
        %swap3A_272 = arith.constant 48 : index
        %swap3A_273 = tpu.vector_load %arg13[%swap3A_271, %swap3A_272] {strides = array<i32>} : memref<128x64xf32, #tpu.memory_space<vmem>>, vector<1x16xf32>,
        %swap3A_274 = vector.shape_cast %swap3A_273 : vector<1x16xf32> to vector<16xf32>
        %swap3A_275 = vector.shape_cast %add3A_270 : vector<16xf32> to vector<1x16xf32>
        tpu.vector_store %arg13[%swap3A_271, %swap3A_272], %swap3A_275 {strides = array<i32>} : memref<128x64xf32, #tpu.memory_space<vmem>>, vector<1x16xf32>,
        %scan3A_276 = arith.constant 3 : i32
        %scan3A_277 = arith.addi %scan3A_105, %scan3A_276 : i32
        %get3A_278 = arith.index_cast %scan3A_277 : i32 to index
        %get3A_279 = arith.constant 0 : index
        %get3A_280 = tpu.vector_load %arg9[%get3A_278, %get3A_279] {strides = array<i32>} : memref<128x64xf32, #tpu.memory_space<vmem>>, vector<1x16xf32>,
        %get3A_281 = vector.shape_cast %get3A_280 : vector<1x16xf32> to vector<16xf32>
        %get3A_282 = arith.index_cast %scan3A_277 : i32 to index
        %get3A_283 = arith.constant 0 : index
        %get3A_284 = tpu.vector_load %arg11[%get3A_282, %get3A_283] {strides = array<i32>} : memref<128x64xf32, #tpu.memory_space<vmem>>, vector<1x16xf32>,
        %get3A_285 = vector.shape_cast %get3A_284 : vector<1x16xf32> to vector<16xf32>
        %add3A_286 = arith.addf %get3A_281, %get3A_285 : vector<16xf32>
        %swap3A_287 = arith.index_cast %scan3A_277 : i32 to index
        %swap3A_288 = arith.constant 0 : index
        %swap3A_289 = tpu.vector_load %arg13[%swap3A_287, %swap3A_288] {strides = array<i32>} : memref<128x64xf32, #tpu.memory_space<vmem>>, vector<1x16xf32>,
        %swap3A_290 = vector.shape_cast %swap3A_289 : vector<1x16xf32> to vector<16xf32>
        %swap3A_291 = vector.shape_cast %add3A_286 : vector<16xf32> to vector<1x16xf32>
        tpu.vector_store %arg13[%swap3A_287, %swap3A_288], %swap3A_291 {strides = array<i32>} : memref<128x64xf32, #tpu.memory_space<vmem>>, vector<1x16xf32>,
        %get3A_292 = arith.index_cast %scan3A_277 : i32 to index
        %get3A_293 = arith.constant 16 : index
        %get3A_294 = tpu.vector_load %arg9[%get3A_292, %get3A_293] {strides = array<i32>} : memref<128x64xf32, #tpu.memory_space<vmem>>, vector<1x16xf32>,
        %get3A_295 = vector.shape_cast %get3A_294 : vector<1x16xf32> to vector<16xf32>
        %get3A_296 = arith.index_cast %scan3A_277 : i32 to index
        %get3A_297 = arith.constant 16 : index
        %get3A_298 = tpu.vector_load %arg11[%get3A_296, %get3A_297] {strides = array<i32>} : memref<128x64xf32, #tpu.memory_space<vmem>>, vector<1x16xf32>,
        %get3A_299 = vector.shape_cast %get3A_298 : vector<1x16xf32> to vector<16xf32>
        %add3A_300 = arith.addf %get3A_295, %get3A_299 : vector<16xf32>
        %swap3A_301 = arith.index_cast %scan3A_277 : i32 to index
        %swap3A_302 = arith.constant 16 : index
        %swap3A_303 = tpu.vector_load %arg13[%swap3A_301, %swap3A_302] {strides = array<i32>} : memref<128x64xf32, #tpu.memory_space<vmem>>, vector<1x16xf32>,
        %swap3A_304 = vector.shape_cast %swap3A_303 : vector<1x16xf32> to vector<16xf32>
        %swap3A_305 = vector.shape_cast %add3A_300 : vector<16xf32> to vector<1x16xf32>
        tpu.vector_store %arg13[%swap3A_301, %swap3A_302], %swap3A_305 {strides = array<i32>} : memref<128x64xf32, #tpu.memory_space<vmem>>, vector<1x16xf32>,
        %get3A_306 = arith.index_cast %scan3A_277 : i32 to index
        %get3A_307 = arith.constant 32 : index
        %get3A_308 = tpu.vector_load %arg9[%get3A_306, %get3A_307] {strides = array<i32>} : memref<128x64xf32, #tpu.memory_space<vmem>>, vector<1x16xf32>,
        %get3A_309 = vector.shape_cast %get3A_308 : vector<1x16xf32> to vector<16xf32>
        %get3A_310 = arith.index_cast %scan3A_277 : i32 to index
        %get3A_311 = arith.constant 32 : index
        %get3A_312 = tpu.vector_load %arg11[%get3A_310, %get3A_311] {strides = array<i32>} : memref<128x64xf32, #tpu.memory_space<vmem>>, vector<1x16xf32>,
        %get3A_313 = vector.shape_cast %get3A_312 : vector<1x16xf32> to vector<16xf32>
        %add3A_314 = arith.addf %get3A_309, %get3A_313 : vector<16xf32>
        %swap3A_315 = arith.index_cast %scan3A_277 : i32 to index
        %swap3A_316 = arith.constant 32 : index
        %swap3A_317 = tpu.vector_load %arg13[%swap3A_315, %swap3A_316] {strides = array<i32>} : memref<128x64xf32, #tpu.memory_space<vmem>>, vector<1x16xf32>,
        %swap3A_318 = vector.shape_cast %swap3A_317 : vector<1x16xf32> to vector<16xf32>
        %swap3A_319 = vector.shape_cast %add3A_314 : vector<16xf32> to vector<1x16xf32>
        tpu.vector_store %arg13[%swap3A_315, %swap3A_316], %swap3A_319 {strides = array<i32>} : memref<128x64xf32, #tpu.memory_space<vmem>>, vector<1x16xf32>,
        %get3A_320 = arith.index_cast %scan3A_277 : i32 to index
        %get3A_321 = arith.constant 48 : index
        %get3A_322 = tpu.vector_load %arg9[%get3A_320, %get3A_321] {strides = array<i32>} : memref<128x64xf32, #tpu.memory_space<vmem>>, vector<1x16xf32>,
        %get3A_323 = vector.shape_cast %get3A_322 : vector<1x16xf32> to vector<16xf32>
        %get3A_324 = arith.index_cast %scan3A_277 : i32 to index
        %get3A_325 = arith.constant 48 : index
        %get3A_326 = tpu.vector_load %arg11[%get3A_324, %get3A_325] {strides = array<i32>} : memref<128x64xf32, #tpu.memory_space<vmem>>, vector<1x16xf32>,
        %get3A_327 = vector.shape_cast %get3A_326 : vector<1x16xf32> to vector<16xf32>
        %add3A_328 = arith.addf %get3A_323, %get3A_327 : vector<16xf32>
        %swap3A_329 = arith.index_cast %scan3A_277 : i32 to index
        %swap3A_330 = arith.constant 48 : index
        %swap3A_331 = tpu.vector_load %arg13[%swap3A_329, %swap3A_330] {strides = array<i32>} : memref<128x64xf32, #tpu.memory_space<vmem>>, vector<1x16xf32>,
        %swap3A_332 = vector.shape_cast %swap3A_331 : vector<1x16xf32> to vector<16xf32>
        %swap3A_333 = vector.shape_cast %add3A_328 : vector<16xf32> to vector<1x16xf32>
        tpu.vector_store %arg13[%swap3A_329, %swap3A_330], %swap3A_333 {strides = array<i32>} : memref<128x64xf32, #tpu.memory_space<vmem>>, vector<1x16xf32>,
      }
      %scan3A_60 = arith.constant 128 : i32
      %lt3A = arith.constant 99 : i32
      %lt3A_61 = arith.cmpi slt, %scan3A_38, %lt3A : i32
      %convert_element_type3A_62 = arith.extui %lt3A_61 : i1 to i32
      %cond3A_63 = arith.constant 0 : i32
      %cond3A_64 = arith.cmpi ne, %convert_element_type3A_62, %cond3A_63 : i32
      scf.if %cond3A_64 {
        %add3A_105 = arith.constant 2 : i32
        %add3A_106 = arith.addi %add3A_42, %add3A_105 : i32
        %mul3A_107 = arith.constant 128 : i32
        %mul3A_108 = arith.muli %add3A_106, %mul3A_107 : i32
        %dma_start3A_109 = tpu.memref_slice %arg7[%mul3A_108] : memref<25600xi32, #tpu.memory_space<vmem>> -> memref<128xi32, #tpu.memory_space<vmem>>
        %dma_start3A_110 = arith.constant 0 : i32
        %dma_start3A_111 = arith.constant 0 : i32
        %dma_start3A_112 = tpu.memref_slice %arg2[%dma_start3A_110, %dma_start3A_111] : memref<1007616x64xf32, #tpu.memory_space<hbm>> -> memref<1007616x64xf32, #tpu.memory_space<hbm>>
        tpu.enqueue_indirect_dma source(%dma_start3A_112 : memref<1007616x64xf32, #tpu.memory_space<hbm>>) target(%arg9 : memref<128x64xf32, #tpu.memory_space<vmem>>) offsets(%dma_start3A_109 : memref<128xi32, #tpu.memory_space<vmem>>) semaphore(%arg15 : memref<!tpu.dma_semaphore, #tpu.memory_space<semaphore_mem>>)
        %mul3A_113 = arith.constant 128 : i32
        %mul3A_114 = arith.muli %add3A_106, %mul3A_113 : i32
        %dma_start3A_115 = tpu.memref_slice %arg8[%mul3A_114] : memref<25600xi32, #tpu.memory_space<vmem>> -> memref<128xi32, #tpu.memory_space<vmem>>
        %dma_start3A_116 = arith.constant 0 : i32
        %dma_start3A_117 = arith.constant 0 : i32
        %dma_start3A_118 = tpu.memref_slice %arg3[%dma_start3A_116, %dma_start3A_117] : memref<100000x64xf32, #tpu.memory_space<hbm>> -> memref<100000x64xf32, #tpu.memory_space<hbm>>
        tpu.enqueue_indirect_dma source(%dma_start3A_118 : memref<100000x64xf32, #tpu.memory_space<hbm>>) target(%arg11 : memref<128x64xf32, #tpu.memory_space<vmem>>) offsets(%dma_start3A_115 : memref<128xi32, #tpu.memory_space<vmem>>) semaphore(%arg17 : memref<!tpu.dma_semaphore, #tpu.memory_space<semaphore_mem>>)
      } else {
      }
      %add3A_65 = arith.addi %mul3A_2, %mul3A_44 : i32
      %dma_start3A_66 = arith.constant 0 : i32
      %dma_start3A_67 = tpu.memref_slice %arg6[%add3A_65, %dma_start3A_66] : memref<819200x64xf32, #tpu.memory_space<hbm>> -> memref<128x64xf32, #tpu.memory_space<hbm>>
      %dma_start3A_68 = arith.constant 0 : i32
      %dma_start3A_69 = tpu.memref_slice %arg6[%add3A_65, %dma_start3A_68] : memref<819200x64xf32, #tpu.memory_space<hbm>> -> memref<128x64xf32, #tpu.memory_space<hbm>>
      tpu.enqueue_dma source(%arg13 : memref<128x64xf32, #tpu.memory_space<vmem>>) target(%dma_start3A_69 : memref<128x64xf32, #tpu.memory_space<hbm>>) target_semaphore(%arg19 : memref<!tpu.dma_semaphore, #tpu.memory_space<semaphore_mem>>)
      %mul3A_70 = arith.constant 2 : i32
      %mul3A_71 = arith.muli %scan3A_38, %mul3A_70 : i32
      %add3A_72 = arith.constant 1 : i32
      %add3A_73 = arith.addi %mul3A_71, %add3A_72 : i32
      %mul3A_74 = arith.constant 128 : i32
      %mul3A_75 = arith.muli %add3A_73, %mul3A_74 : i32
      %dma_wait3A_76 = tpu.memref_slice %arg7[%mul3A_75] : memref<25600xi32, #tpu.memory_space<vmem>> -> memref<128xi32, #tpu.memory_space<vmem>>
      %dma_wait3A_77 = arith.constant 0 : i32
      %dma_wait3A_78 = arith.constant 0 : i32
      %dma_wait3A_79 = tpu.memref_slice %arg2[%dma_wait3A_77, %dma_wait3A_78] : memref<1007616x64xf32, #tpu.memory_space<hbm>> -> memref<1007616x64xf32, #tpu.memory_space<hbm>>
      tpu.wait_indirect_dma semaphore(%arg16 : memref<!tpu.dma_semaphore, #tpu.memory_space<semaphore_mem>>) src(%dma_wait3A_79 : memref<1007616x64xf32, #tpu.memory_space<hbm>>) dst(%arg10 : memref<128x64xf32, #tpu.memory_space<vmem>>)
      %dma_wait3A_80 = tpu.memref_slice %arg8[%mul3A_75] : memref<25600xi32, #tpu.memory_space<vmem>> -> memref<128xi32, #tpu.memory_space<vmem>>
      %dma_wait3A_81 = arith.constant 0 : i32
      %dma_wait3A_82 = arith.constant 0 : i32
      %dma_wait3A_83 = tpu.memref_slice %arg3[%dma_wait3A_81, %dma_wait3A_82] : memref<100000x64xf32, #tpu.memory_space<hbm>> -> memref<100000x64xf32, #tpu.memory_space<hbm>>
      tpu.wait_indirect_dma semaphore(%arg18 : memref<!tpu.dma_semaphore, #tpu.memory_space<semaphore_mem>>) src(%dma_wait3A_83 : memref<100000x64xf32, #tpu.memory_space<hbm>>) dst(%arg12 : memref<128x64xf32, #tpu.memory_space<vmem>>)
      %ge3A_84 = arith.constant 1 : i32
      %ge3A_85 = arith.cmpi sge, %scan3A_38, %ge3A_84 : i32
      %convert_element_type3A_86 = arith.extui %ge3A_85 : i1 to i32
      %cond3A_87 = arith.constant 0 : i32
      %cond3A_88 = arith.cmpi ne, %convert_element_type3A_86, %cond3A_87 : i32
      scf.if %cond3A_88 {
        %add3A_105 = arith.addi %mul3A_2, %mul3A_75 : i32
        %sub3A = arith.constant 256 : i32
        %sub3A_106 = arith.subi %add3A_105, %sub3A : i32
        %dma_wait3A_107 = arith.constant 0 : i32
        %dma_wait3A_108 = tpu.memref_slice %arg6[%sub3A_106, %dma_wait3A_107] : memref<819200x64xf32, #tpu.memory_space<hbm>> -> memref<128x64xf32, #tpu.memory_space<hbm>>
        %dma_wait3A_109 = arith.constant 0 : i32
        %dma_wait3A_110 = tpu.memref_slice %arg6[%sub3A_106, %dma_wait3A_109] : memref<819200x64xf32, #tpu.memory_space<hbm>> -> memref<128x64xf32, #tpu.memory_space<hbm>>
        tpu.wait_dma2 semaphore(%arg20 : memref<!tpu.dma_semaphore, #tpu.memory_space<semaphore_mem>>) src(%arg14 : memref<128x64xf32, #tpu.memory_space<vmem>>) dst(%dma_wait3A_110 : memref<128x64xf32, #tpu.memory_space<hbm>>)
      } else {
      }
      %scan3A_89 = arith.constant 0 : i32
      %scan3A_90 = arith.constant 0 : i32
      %scan3A_91 = arith.constant 128 : i32
      %scan3A_92 = arith.addi %scan3A_90, %scan3A_91 : i32
      %scan3A_93 = arith.constant 4 : i32
      scf.for %scan3A_105 = %scan3A_90 to %scan3A_92 step %scan3A_93  : i32 {
        %get3A = arith.index_cast %scan3A_105 : i32 to index
        %get3A_106 = arith.constant 0 : index
        %get3A_107 = tpu.vector_load %arg10[%get3A, %get3A_106] {strides = array<i32>} : memref<128x64xf32, #tpu.memory_space<vmem>>, vector<1x16xf32>,
        %get3A_108 = vector.shape_cast %get3A_107 : vector<1x16xf32> to vector<16xf32>
        %get3A_109 = arith.index_cast %scan3A_105 : i32 to index
        %get3A_110 = arith.constant 0 : index
        %get3A_111 = tpu.vector_load %arg12[%get3A_109, %get3A_110] {strides = array<i32>} : memref<128x64xf32, #tpu.memory_space<vmem>>, vector<1x16xf32>,
        %get3A_112 = vector.shape_cast %get3A_111 : vector<1x16xf32> to vector<16xf32>
        %add3A_113 = arith.addf %get3A_108, %get3A_112 : vector<16xf32>
        %swap3A = arith.index_cast %scan3A_105 : i32 to index
        %swap3A_114 = arith.constant 0 : index
        %swap3A_115 = tpu.vector_load %arg14[%swap3A, %swap3A_114] {strides = array<i32>} : memref<128x64xf32, #tpu.memory_space<vmem>>, vector<1x16xf32>,
        %swap3A_116 = vector.shape_cast %swap3A_115 : vector<1x16xf32> to vector<16xf32>
        %swap3A_117 = vector.shape_cast %add3A_113 : vector<16xf32> to vector<1x16xf32>
        tpu.vector_store %arg14[%swap3A, %swap3A_114], %swap3A_117 {strides = array<i32>} : memref<128x64xf32, #tpu.memory_space<vmem>>, vector<1x16xf32>,
        %get3A_118 = arith.index_cast %scan3A_105 : i32 to index
        %get3A_119 = arith.constant 16 : index
        %get3A_120 = tpu.vector_load %arg10[%get3A_118, %get3A_119] {strides = array<i32>} : memref<128x64xf32, #tpu.memory_space<vmem>>, vector<1x16xf32>,
        %get3A_121 = vector.shape_cast %get3A_120 : vector<1x16xf32> to vector<16xf32>
        %get3A_122 = arith.index_cast %scan3A_105 : i32 to index
        %get3A_123 = arith.constant 16 : index
        %get3A_124 = tpu.vector_load %arg12[%get3A_122, %get3A_123] {strides = array<i32>} : memref<128x64xf32, #tpu.memory_space<vmem>>, vector<1x16xf32>,
        %get3A_125 = vector.shape_cast %get3A_124 : vector<1x16xf32> to vector<16xf32>
        %add3A_126 = arith.addf %get3A_121, %get3A_125 : vector<16xf32>
        %swap3A_127 = arith.index_cast %scan3A_105 : i32 to index
        %swap3A_128 = arith.constant 16 : index
        %swap3A_129 = tpu.vector_load %arg14[%swap3A_127, %swap3A_128] {strides = array<i32>} : memref<128x64xf32, #tpu.memory_space<vmem>>, vector<1x16xf32>,
        %swap3A_130 = vector.shape_cast %swap3A_129 : vector<1x16xf32> to vector<16xf32>
        %swap3A_131 = vector.shape_cast %add3A_126 : vector<16xf32> to vector<1x16xf32>
        tpu.vector_store %arg14[%swap3A_127, %swap3A_128], %swap3A_131 {strides = array<i32>} : memref<128x64xf32, #tpu.memory_space<vmem>>, vector<1x16xf32>,
        %get3A_132 = arith.index_cast %scan3A_105 : i32 to index
        %get3A_133 = arith.constant 32 : index
        %get3A_134 = tpu.vector_load %arg10[%get3A_132, %get3A_133] {strides = array<i32>} : memref<128x64xf32, #tpu.memory_space<vmem>>, vector<1x16xf32>,
        %get3A_135 = vector.shape_cast %get3A_134 : vector<1x16xf32> to vector<16xf32>
        %get3A_136 = arith.index_cast %scan3A_105 : i32 to index
        %get3A_137 = arith.constant 32 : index
        %get3A_138 = tpu.vector_load %arg12[%get3A_136, %get3A_137] {strides = array<i32>} : memref<128x64xf32, #tpu.memory_space<vmem>>, vector<1x16xf32>,
        %get3A_139 = vector.shape_cast %get3A_138 : vector<1x16xf32> to vector<16xf32>
        %add3A_140 = arith.addf %get3A_135, %get3A_139 : vector<16xf32>
        %swap3A_141 = arith.index_cast %scan3A_105 : i32 to index
        %swap3A_142 = arith.constant 32 : index
        %swap3A_143 = tpu.vector_load %arg14[%swap3A_141, %swap3A_142] {strides = array<i32>} : memref<128x64xf32, #tpu.memory_space<vmem>>, vector<1x16xf32>,
        %swap3A_144 = vector.shape_cast %swap3A_143 : vector<1x16xf32> to vector<16xf32>
        %swap3A_145 = vector.shape_cast %add3A_140 : vector<16xf32> to vector<1x16xf32>
        tpu.vector_store %arg14[%swap3A_141, %swap3A_142], %swap3A_145 {strides = array<i32>} : memref<128x64xf32, #tpu.memory_space<vmem>>, vector<1x16xf32>,
        %get3A_146 = arith.index_cast %scan3A_105 : i32 to index
        %get3A_147 = arith.constant 48 : index
        %get3A_148 = tpu.vector_load %arg10[%get3A_146, %get3A_147] {strides = array<i32>} : memref<128x64xf32, #tpu.memory_space<vmem>>, vector<1x16xf32>,
        %get3A_149 = vector.shape_cast %get3A_148 : vector<1x16xf32> to vector<16xf32>
        %get3A_150 = arith.index_cast %scan3A_105 : i32 to index
        %get3A_151 = arith.constant 48 : index
        %get3A_152 = tpu.vector_load %arg12[%get3A_150, %get3A_151] {strides = array<i32>} : memref<128x64xf32, #tpu.memory_space<vmem>>, vector<1x16xf32>,
        %get3A_153 = vector.shape_cast %get3A_152 : vector<1x16xf32> to vector<16xf32>
        %add3A_154 = arith.addf %get3A_149, %get3A_153 : vector<16xf32>
        %swap3A_155 = arith.index_cast %scan3A_105 : i32 to index
        %swap3A_156 = arith.constant 48 : index
        %swap3A_157 = tpu.vector_load %arg14[%swap3A_155, %swap3A_156] {strides = array<i32>} : memref<128x64xf32, #tpu.memory_space<vmem>>, vector<1x16xf32>,
        %swap3A_158 = vector.shape_cast %swap3A_157 : vector<1x16xf32> to vector<16xf32>
        %swap3A_159 = vector.shape_cast %add3A_154 : vector<16xf32> to vector<1x16xf32>
        tpu.vector_store %arg14[%swap3A_155, %swap3A_156], %swap3A_159 {strides = array<i32>} : memref<128x64xf32, #tpu.memory_space<vmem>>, vector<1x16xf32>,
        %scan3A_160 = arith.constant 1 : i32
        %scan3A_161 = arith.addi %scan3A_105, %scan3A_160 : i32
        %get3A_162 = arith.index_cast %scan3A_161 : i32 to index
        %get3A_163 = arith.constant 0 : index
        %get3A_164 = tpu.vector_load %arg10[%get3A_162, %get3A_163] {strides = array<i32>} : memref<128x64xf32, #tpu.memory_space<vmem>>, vector<1x16xf32>,
        %get3A_165 = vector.shape_cast %get3A_164 : vector<1x16xf32> to vector<16xf32>
        %get3A_166 = arith.index_cast %scan3A_161 : i32 to index
        %get3A_167 = arith.constant 0 : index
        %get3A_168 = tpu.vector_load %arg12[%get3A_166, %get3A_167] {strides = array<i32>} : memref<128x64xf32, #tpu.memory_space<vmem>>, vector<1x16xf32>,
        %get3A_169 = vector.shape_cast %get3A_168 : vector<1x16xf32> to vector<16xf32>
        %add3A_170 = arith.addf %get3A_165, %get3A_169 : vector<16xf32>
        %swap3A_171 = arith.index_cast %scan3A_161 : i32 to index
        %swap3A_172 = arith.constant 0 : index
        %swap3A_173 = tpu.vector_load %arg14[%swap3A_171, %swap3A_172] {strides = array<i32>} : memref<128x64xf32, #tpu.memory_space<vmem>>, vector<1x16xf32>,
        %swap3A_174 = vector.shape_cast %swap3A_173 : vector<1x16xf32> to vector<16xf32>
        %swap3A_175 = vector.shape_cast %add3A_170 : vector<16xf32> to vector<1x16xf32>
        tpu.vector_store %arg14[%swap3A_171, %swap3A_172], %swap3A_175 {strides = array<i32>} : memref<128x64xf32, #tpu.memory_space<vmem>>, vector<1x16xf32>,
        %get3A_176 = arith.index_cast %scan3A_161 : i32 to index
        %get3A_177 = arith.constant 16 : index
        %get3A_178 = tpu.vector_load %arg10[%get3A_176, %get3A_177] {strides = array<i32>} : memref<128x64xf32, #tpu.memory_space<vmem>>, vector<1x16xf32>,
        %get3A_179 = vector.shape_cast %get3A_178 : vector<1x16xf32> to vector<16xf32>
        %get3A_180 = arith.index_cast %scan3A_161 : i32 to index
        %get3A_181 = arith.constant 16 : index
        %get3A_182 = tpu.vector_load %arg12[%get3A_180, %get3A_181] {strides = array<i32>} : memref<128x64xf32, #tpu.memory_space<vmem>>, vector<1x16xf32>,
        %get3A_183 = vector.shape_cast %get3A_182 : vector<1x16xf32> to vector<16xf32>
        %add3A_184 = arith.addf %get3A_179, %get3A_183 : vector<16xf32>
        %swap3A_185 = arith.index_cast %scan3A_161 : i32 to index
        %swap3A_186 = arith.constant 16 : index
        %swap3A_187 = tpu.vector_load %arg14[%swap3A_185, %swap3A_186] {strides = array<i32>} : memref<128x64xf32, #tpu.memory_space<vmem>>, vector<1x16xf32>,
        %swap3A_188 = vector.shape_cast %swap3A_187 : vector<1x16xf32> to vector<16xf32>
        %swap3A_189 = vector.shape_cast %add3A_184 : vector<16xf32> to vector<1x16xf32>
        tpu.vector_store %arg14[%swap3A_185, %swap3A_186], %swap3A_189 {strides = array<i32>} : memref<128x64xf32, #tpu.memory_space<vmem>>, vector<1x16xf32>,
        %get3A_190 = arith.index_cast %scan3A_161 : i32 to index
        %get3A_191 = arith.constant 32 : index
        %get3A_192 = tpu.vector_load %arg10[%get3A_190, %get3A_191] {strides = array<i32>} : memref<128x64xf32, #tpu.memory_space<vmem>>, vector<1x16xf32>,
        %get3A_193 = vector.shape_cast %get3A_192 : vector<1x16xf32> to vector<16xf32>
        %get3A_194 = arith.index_cast %scan3A_161 : i32 to index
        %get3A_195 = arith.constant 32 : index
        %get3A_196 = tpu.vector_load %arg12[%get3A_194, %get3A_195] {strides = array<i32>} : memref<128x64xf32, #tpu.memory_space<vmem>>, vector<1x16xf32>,
        %get3A_197 = vector.shape_cast %get3A_196 : vector<1x16xf32> to vector<16xf32>
        %add3A_198 = arith.addf %get3A_193, %get3A_197 : vector<16xf32>
        %swap3A_199 = arith.index_cast %scan3A_161 : i32 to index
        %swap3A_200 = arith.constant 32 : index
        %swap3A_201 = tpu.vector_load %arg14[%swap3A_199, %swap3A_200] {strides = array<i32>} : memref<128x64xf32, #tpu.memory_space<vmem>>, vector<1x16xf32>,
        %swap3A_202 = vector.shape_cast %swap3A_201 : vector<1x16xf32> to vector<16xf32>
        %swap3A_203 = vector.shape_cast %add3A_198 : vector<16xf32> to vector<1x16xf32>
        tpu.vector_store %arg14[%swap3A_199, %swap3A_200], %swap3A_203 {strides = array<i32>} : memref<128x64xf32, #tpu.memory_space<vmem>>, vector<1x16xf32>,
        %get3A_204 = arith.index_cast %scan3A_161 : i32 to index
        %get3A_205 = arith.constant 48 : index
        %get3A_206 = tpu.vector_load %arg10[%get3A_204, %get3A_205] {strides = array<i32>} : memref<128x64xf32, #tpu.memory_space<vmem>>, vector<1x16xf32>,
        %get3A_207 = vector.shape_cast %get3A_206 : vector<1x16xf32> to vector<16xf32>
        %get3A_208 = arith.index_cast %scan3A_161 : i32 to index
        %get3A_209 = arith.constant 48 : index
        %get3A_210 = tpu.vector_load %arg12[%get3A_208, %get3A_209] {strides = array<i32>} : memref<128x64xf32, #tpu.memory_space<vmem>>, vector<1x16xf32>,
        %get3A_211 = vector.shape_cast %get3A_210 : vector<1x16xf32> to vector<16xf32>
        %add3A_212 = arith.addf %get3A_207, %get3A_211 : vector<16xf32>
        %swap3A_213 = arith.index_cast %scan3A_161 : i32 to index
        %swap3A_214 = arith.constant 48 : index
        %swap3A_215 = tpu.vector_load %arg14[%swap3A_213, %swap3A_214] {strides = array<i32>} : memref<128x64xf32, #tpu.memory_space<vmem>>, vector<1x16xf32>,
        %swap3A_216 = vector.shape_cast %swap3A_215 : vector<1x16xf32> to vector<16xf32>
        %swap3A_217 = vector.shape_cast %add3A_212 : vector<16xf32> to vector<1x16xf32>
        tpu.vector_store %arg14[%swap3A_213, %swap3A_214], %swap3A_217 {strides = array<i32>} : memref<128x64xf32, #tpu.memory_space<vmem>>, vector<1x16xf32>,
        %scan3A_218 = arith.constant 2 : i32
        %scan3A_219 = arith.addi %scan3A_105, %scan3A_218 : i32
        %get3A_220 = arith.index_cast %scan3A_219 : i32 to index
        %get3A_221 = arith.constant 0 : index
        %get3A_222 = tpu.vector_load %arg10[%get3A_220, %get3A_221] {strides = array<i32>} : memref<128x64xf32, #tpu.memory_space<vmem>>, vector<1x16xf32>,
        %get3A_223 = vector.shape_cast %get3A_222 : vector<1x16xf32> to vector<16xf32>
        %get3A_224 = arith.index_cast %scan3A_219 : i32 to index
        %get3A_225 = arith.constant 0 : index
        %get3A_226 = tpu.vector_load %arg12[%get3A_224, %get3A_225] {strides = array<i32>} : memref<128x64xf32, #tpu.memory_space<vmem>>, vector<1x16xf32>,
        %get3A_227 = vector.shape_cast %get3A_226 : vector<1x16xf32> to vector<16xf32>
        %add3A_228 = arith.addf %get3A_223, %get3A_227 : vector<16xf32>
        %swap3A_229 = arith.index_cast %scan3A_219 : i32 to index
        %swap3A_230 = arith.constant 0 : index
        %swap3A_231 = tpu.vector_load %arg14[%swap3A_229, %swap3A_230] {strides = array<i32>} : memref<128x64xf32, #tpu.memory_space<vmem>>, vector<1x16xf32>,
        %swap3A_232 = vector.shape_cast %swap3A_231 : vector<1x16xf32> to vector<16xf32>
        %swap3A_233 = vector.shape_cast %add3A_228 : vector<16xf32> to vector<1x16xf32>
        tpu.vector_store %arg14[%swap3A_229, %swap3A_230], %swap3A_233 {strides = array<i32>} : memref<128x64xf32, #tpu.memory_space<vmem>>, vector<1x16xf32>,
        %get3A_234 = arith.index_cast %scan3A_219 : i32 to index
        %get3A_235 = arith.constant 16 : index
        %get3A_236 = tpu.vector_load %arg10[%get3A_234, %get3A_235] {strides = array<i32>} : memref<128x64xf32, #tpu.memory_space<vmem>>, vector<1x16xf32>,
        %get3A_237 = vector.shape_cast %get3A_236 : vector<1x16xf32> to vector<16xf32>
        %get3A_238 = arith.index_cast %scan3A_219 : i32 to index
        %get3A_239 = arith.constant 16 : index
        %get3A_240 = tpu.vector_load %arg12[%get3A_238, %get3A_239] {strides = array<i32>} : memref<128x64xf32, #tpu.memory_space<vmem>>, vector<1x16xf32>,
        %get3A_241 = vector.shape_cast %get3A_240 : vector<1x16xf32> to vector<16xf32>
        %add3A_242 = arith.addf %get3A_237, %get3A_241 : vector<16xf32>
        %swap3A_243 = arith.index_cast %scan3A_219 : i32 to index
        %swap3A_244 = arith.constant 16 : index
        %swap3A_245 = tpu.vector_load %arg14[%swap3A_243, %swap3A_244] {strides = array<i32>} : memref<128x64xf32, #tpu.memory_space<vmem>>, vector<1x16xf32>,
        %swap3A_246 = vector.shape_cast %swap3A_245 : vector<1x16xf32> to vector<16xf32>
        %swap3A_247 = vector.shape_cast %add3A_242 : vector<16xf32> to vector<1x16xf32>
        tpu.vector_store %arg14[%swap3A_243, %swap3A_244], %swap3A_247 {strides = array<i32>} : memref<128x64xf32, #tpu.memory_space<vmem>>, vector<1x16xf32>,
        %get3A_248 = arith.index_cast %scan3A_219 : i32 to index
        %get3A_249 = arith.constant 32 : index
        %get3A_250 = tpu.vector_load %arg10[%get3A_248, %get3A_249] {strides = array<i32>} : memref<128x64xf32, #tpu.memory_space<vmem>>, vector<1x16xf32>,
        %get3A_251 = vector.shape_cast %get3A_250 : vector<1x16xf32> to vector<16xf32>
        %get3A_252 = arith.index_cast %scan3A_219 : i32 to index
        %get3A_253 = arith.constant 32 : index
        %get3A_254 = tpu.vector_load %arg12[%get3A_252, %get3A_253] {strides = array<i32>} : memref<128x64xf32, #tpu.memory_space<vmem>>, vector<1x16xf32>,
        %get3A_255 = vector.shape_cast %get3A_254 : vector<1x16xf32> to vector<16xf32>
        %add3A_256 = arith.addf %get3A_251, %get3A_255 : vector<16xf32>
        %swap3A_257 = arith.index_cast %scan3A_219 : i32 to index
        %swap3A_258 = arith.constant 32 : index
        %swap3A_259 = tpu.vector_load %arg14[%swap3A_257, %swap3A_258] {strides = array<i32>} : memref<128x64xf32, #tpu.memory_space<vmem>>, vector<1x16xf32>,
        %swap3A_260 = vector.shape_cast %swap3A_259 : vector<1x16xf32> to vector<16xf32>
        %swap3A_261 = vector.shape_cast %add3A_256 : vector<16xf32> to vector<1x16xf32>
        tpu.vector_store %arg14[%swap3A_257, %swap3A_258], %swap3A_261 {strides = array<i32>} : memref<128x64xf32, #tpu.memory_space<vmem>>, vector<1x16xf32>,
        %get3A_262 = arith.index_cast %scan3A_219 : i32 to index
        %get3A_263 = arith.constant 48 : index
        %get3A_264 = tpu.vector_load %arg10[%get3A_262, %get3A_263] {strides = array<i32>} : memref<128x64xf32, #tpu.memory_space<vmem>>, vector<1x16xf32>,
        %get3A_265 = vector.shape_cast %get3A_264 : vector<1x16xf32> to vector<16xf32>
        %get3A_266 = arith.index_cast %scan3A_219 : i32 to index
        %get3A_267 = arith.constant 48 : index
        %get3A_268 = tpu.vector_load %arg12[%get3A_266, %get3A_267] {strides = array<i32>} : memref<128x64xf32, #tpu.memory_space<vmem>>, vector<1x16xf32>,
        %get3A_269 = vector.shape_cast %get3A_268 : vector<1x16xf32> to vector<16xf32>
        %add3A_270 = arith.addf %get3A_265, %get3A_269 : vector<16xf32>
        %swap3A_271 = arith.index_cast %scan3A_219 : i32 to index
        %swap3A_272 = arith.constant 48 : index
        %swap3A_273 = tpu.vector_load %arg14[%swap3A_271, %swap3A_272] {strides = array<i32>} : memref<128x64xf32, #tpu.memory_space<vmem>>, vector<1x16xf32>,
        %swap3A_274 = vector.shape_cast %swap3A_273 : vector<1x16xf32> to vector<16xf32>
        %swap3A_275 = vector.shape_cast %add3A_270 : vector<16xf32> to vector<1x16xf32>
        tpu.vector_store %arg14[%swap3A_271, %swap3A_272], %swap3A_275 {strides = array<i32>} : memref<128x64xf32, #tpu.memory_space<vmem>>, vector<1x16xf32>,
        %scan3A_276 = arith.constant 3 : i32
        %scan3A_277 = arith.addi %scan3A_105, %scan3A_276 : i32
        %get3A_278 = arith.index_cast %scan3A_277 : i32 to index
        %get3A_279 = arith.constant 0 : index
        %get3A_280 = tpu.vector_load %arg10[%get3A_278, %get3A_279] {strides = array<i32>} : memref<128x64xf32, #tpu.memory_space<vmem>>, vector<1x16xf32>,
        %get3A_281 = vector.shape_cast %get3A_280 : vector<1x16xf32> to vector<16xf32>
        %get3A_282 = arith.index_cast %scan3A_277 : i32 to index
        %get3A_283 = arith.constant 0 : index
        %get3A_284 = tpu.vector_load %arg12[%get3A_282, %get3A_283] {strides = array<i32>} : memref<128x64xf32, #tpu.memory_space<vmem>>, vector<1x16xf32>,
        %get3A_285 = vector.shape_cast %get3A_284 : vector<1x16xf32> to vector<16xf32>
        %add3A_286 = arith.addf %get3A_281, %get3A_285 : vector<16xf32>
        %swap3A_287 = arith.index_cast %scan3A_277 : i32 to index
        %swap3A_288 = arith.constant 0 : index
        %swap3A_289 = tpu.vector_load %arg14[%swap3A_287, %swap3A_288] {strides = array<i32>} : memref<128x64xf32, #tpu.memory_space<vmem>>, vector<1x16xf32>,
        %swap3A_290 = vector.shape_cast %swap3A_289 : vector<1x16xf32> to vector<16xf32>
        %swap3A_291 = vector.shape_cast %add3A_286 : vector<16xf32> to vector<1x16xf32>
        tpu.vector_store %arg14[%swap3A_287, %swap3A_288], %swap3A_291 {strides = array<i32>} : memref<128x64xf32, #tpu.memory_space<vmem>>, vector<1x16xf32>,
        %get3A_292 = arith.index_cast %scan3A_277 : i32 to index
        %get3A_293 = arith.constant 16 : index
        %get3A_294 = tpu.vector_load %arg10[%get3A_292, %get3A_293] {strides = array<i32>} : memref<128x64xf32, #tpu.memory_space<vmem>>, vector<1x16xf32>,
        %get3A_295 = vector.shape_cast %get3A_294 : vector<1x16xf32> to vector<16xf32>
        %get3A_296 = arith.index_cast %scan3A_277 : i32 to index
        %get3A_297 = arith.constant 16 : index
        %get3A_298 = tpu.vector_load %arg12[%get3A_296, %get3A_297] {strides = array<i32>} : memref<128x64xf32, #tpu.memory_space<vmem>>, vector<1x16xf32>,
        %get3A_299 = vector.shape_cast %get3A_298 : vector<1x16xf32> to vector<16xf32>
        %add3A_300 = arith.addf %get3A_295, %get3A_299 : vector<16xf32>
        %swap3A_301 = arith.index_cast %scan3A_277 : i32 to index
        %swap3A_302 = arith.constant 16 : index
        %swap3A_303 = tpu.vector_load %arg14[%swap3A_301, %swap3A_302] {strides = array<i32>} : memref<128x64xf32, #tpu.memory_space<vmem>>, vector<1x16xf32>,
        %swap3A_304 = vector.shape_cast %swap3A_303 : vector<1x16xf32> to vector<16xf32>
        %swap3A_305 = vector.shape_cast %add3A_300 : vector<16xf32> to vector<1x16xf32>
        tpu.vector_store %arg14[%swap3A_301, %swap3A_302], %swap3A_305 {strides = array<i32>} : memref<128x64xf32, #tpu.memory_space<vmem>>, vector<1x16xf32>,
        %get3A_306 = arith.index_cast %scan3A_277 : i32 to index
        %get3A_307 = arith.constant 32 : index
        %get3A_308 = tpu.vector_load %arg10[%get3A_306, %get3A_307] {strides = array<i32>} : memref<128x64xf32, #tpu.memory_space<vmem>>, vector<1x16xf32>,
        %get3A_309 = vector.shape_cast %get3A_308 : vector<1x16xf32> to vector<16xf32>
        %get3A_310 = arith.index_cast %scan3A_277 : i32 to index
        %get3A_311 = arith.constant 32 : index
        %get3A_312 = tpu.vector_load %arg12[%get3A_310, %get3A_311] {strides = array<i32>} : memref<128x64xf32, #tpu.memory_space<vmem>>, vector<1x16xf32>,
        %get3A_313 = vector.shape_cast %get3A_312 : vector<1x16xf32> to vector<16xf32>
        %add3A_314 = arith.addf %get3A_309, %get3A_313 : vector<16xf32>
        %swap3A_315 = arith.index_cast %scan3A_277 : i32 to index
        %swap3A_316 = arith.constant 32 : index
        %swap3A_317 = tpu.vector_load %arg14[%swap3A_315, %swap3A_316] {strides = array<i32>} : memref<128x64xf32, #tpu.memory_space<vmem>>, vector<1x16xf32>,
        %swap3A_318 = vector.shape_cast %swap3A_317 : vector<1x16xf32> to vector<16xf32>
        %swap3A_319 = vector.shape_cast %add3A_314 : vector<16xf32> to vector<1x16xf32>
        tpu.vector_store %arg14[%swap3A_315, %swap3A_316], %swap3A_319 {strides = array<i32>} : memref<128x64xf32, #tpu.memory_space<vmem>>, vector<1x16xf32>,
        %get3A_320 = arith.index_cast %scan3A_277 : i32 to index
        %get3A_321 = arith.constant 48 : index
        %get3A_322 = tpu.vector_load %arg10[%get3A_320, %get3A_321] {strides = array<i32>} : memref<128x64xf32, #tpu.memory_space<vmem>>, vector<1x16xf32>,
        %get3A_323 = vector.shape_cast %get3A_322 : vector<1x16xf32> to vector<16xf32>
        %get3A_324 = arith.index_cast %scan3A_277 : i32 to index
        %get3A_325 = arith.constant 48 : index
        %get3A_326 = tpu.vector_load %arg12[%get3A_324, %get3A_325] {strides = array<i32>} : memref<128x64xf32, #tpu.memory_space<vmem>>, vector<1x16xf32>,
        %get3A_327 = vector.shape_cast %get3A_326 : vector<1x16xf32> to vector<16xf32>
        %add3A_328 = arith.addf %get3A_323, %get3A_327 : vector<16xf32>
        %swap3A_329 = arith.index_cast %scan3A_277 : i32 to index
        %swap3A_330 = arith.constant 48 : index
        %swap3A_331 = tpu.vector_load %arg14[%swap3A_329, %swap3A_330] {strides = array<i32>} : memref<128x64xf32, #tpu.memory_space<vmem>>, vector<1x16xf32>,
        %swap3A_332 = vector.shape_cast %swap3A_331 : vector<1x16xf32> to vector<16xf32>
        %swap3A_333 = vector.shape_cast %add3A_328 : vector<16xf32> to vector<1x16xf32>
        tpu.vector_store %arg14[%swap3A_329, %swap3A_330], %swap3A_333 {strides = array<i32>} : memref<128x64xf32, #tpu.memory_space<vmem>>, vector<1x16xf32>,
      }
      %scan3A_94 = arith.constant 128 : i32
      %lt3A_95 = arith.constant 99 : i32
      %lt3A_96 = arith.cmpi slt, %scan3A_38, %lt3A_95 : i32
      %convert_element_type3A_97 = arith.extui %lt3A_96 : i1 to i32
      %cond3A_98 = arith.constant 0 : i32
      %cond3A_99 = arith.cmpi ne, %convert_element_type3A_97, %cond3A_98 : i32
      scf.if %cond3A_99 {
        %add3A_105 = arith.constant 2 : i32
        %add3A_106 = arith.addi %add3A_73, %add3A_105 : i32
        %mul3A_107 = arith.constant 128 : i32
        %mul3A_108 = arith.muli %add3A_106, %mul3A_107 : i32
        %dma_start3A_109 = tpu.memref_slice %arg7[%mul3A_108] : memref<25600xi32, #tpu.memory_space<vmem>> -> memref<128xi32, #tpu.memory_space<vmem>>
        %dma_start3A_110 = arith.constant 0 : i32
        %dma_start3A_111 = arith.constant 0 : i32
        %dma_start3A_112 = tpu.memref_slice %arg2[%dma_start3A_110, %dma_start3A_111] : memref<1007616x64xf32, #tpu.memory_space<hbm>> -> memref<1007616x64xf32, #tpu.memory_space<hbm>>
        tpu.enqueue_indirect_dma source(%dma_start3A_112 : memref<1007616x64xf32, #tpu.memory_space<hbm>>) target(%arg10 : memref<128x64xf32, #tpu.memory_space<vmem>>) offsets(%dma_start3A_109 : memref<128xi32, #tpu.memory_space<vmem>>) semaphore(%arg16 : memref<!tpu.dma_semaphore, #tpu.memory_space<semaphore_mem>>)
        %mul3A_113 = arith.constant 128 : i32
        %mul3A_114 = arith.muli %add3A_106, %mul3A_113 : i32
        %dma_start3A_115 = tpu.memref_slice %arg8[%mul3A_114] : memref<25600xi32, #tpu.memory_space<vmem>> -> memref<128xi32, #tpu.memory_space<vmem>>
        %dma_start3A_116 = arith.constant 0 : i32
        %dma_start3A_117 = arith.constant 0 : i32
        %dma_start3A_118 = tpu.memref_slice %arg3[%dma_start3A_116, %dma_start3A_117] : memref<100000x64xf32, #tpu.memory_space<hbm>> -> memref<100000x64xf32, #tpu.memory_space<hbm>>
        tpu.enqueue_indirect_dma source(%dma_start3A_118 : memref<100000x64xf32, #tpu.memory_space<hbm>>) target(%arg12 : memref<128x64xf32, #tpu.memory_space<vmem>>) offsets(%dma_start3A_115 : memref<128xi32, #tpu.memory_space<vmem>>) semaphore(%arg18 : memref<!tpu.dma_semaphore, #tpu.memory_space<semaphore_mem>>)
      } else {
      }
      %add3A_100 = arith.addi %mul3A_2, %mul3A_75 : i32
      %dma_start3A_101 = arith.constant 0 : i32
      %dma_start3A_102 = tpu.memref_slice %arg6[%add3A_100, %dma_start3A_101] : memref<819200x64xf32, #tpu.memory_space<hbm>> -> memref<128x64xf32, #tpu.memory_space<hbm>>
      %dma_start3A_103 = arith.constant 0 : i32
      %dma_start3A_104 = tpu.memref_slice %arg6[%add3A_100, %dma_start3A_103] : memref<819200x64xf32, #tpu.memory_space<hbm>> -> memref<128x64xf32, #tpu.memory_space<hbm>>
      tpu.enqueue_dma source(%arg14 : memref<128x64xf32, #tpu.memory_space<vmem>>) target(%dma_start3A_104 : memref<128x64xf32, #tpu.memory_space<hbm>>) target_semaphore(%arg20 : memref<!tpu.dma_semaphore, #tpu.memory_space<semaphore_mem>>)
    }
    %scan3A_26 = arith.constant 100 : i32
    %add3A_27 = arith.constant 25344 : i32
    %add3A_28 = arith.addi %mul3A_2, %add3A_27 : i32
    %dma_wait3A = arith.constant 0 : i32
    %dma_wait3A_29 = tpu.memref_slice %arg6[%add3A_28, %dma_wait3A] : memref<819200x64xf32, #tpu.memory_space<hbm>> -> memref<128x64xf32, #tpu.memory_space<hbm>>
    %dma_wait3A_30 = arith.constant 0 : i32
    %dma_wait3A_31 = tpu.memref_slice %arg6[%add3A_28, %dma_wait3A_30] : memref<819200x64xf32, #tpu.memory_space<hbm>> -> memref<128x64xf32, #tpu.memory_space<hbm>>
    tpu.wait_dma2 semaphore(%arg19 : memref<!tpu.dma_semaphore, #tpu.memory_space<semaphore_mem>>) src(%arg13 : memref<128x64xf32, #tpu.memory_space<vmem>>) dst(%dma_wait3A_31 : memref<128x64xf32, #tpu.memory_space<hbm>>)
    %add3A_32 = arith.constant 25472 : i32
    %add3A_33 = arith.addi %mul3A_2, %add3A_32 : i32
    %dma_wait3A_34 = arith.constant 0 : i32
    %dma_wait3A_35 = tpu.memref_slice %arg6[%add3A_33, %dma_wait3A_34] : memref<819200x64xf32, #tpu.memory_space<hbm>> -> memref<128x64xf32, #tpu.memory_space<hbm>>
    %dma_wait3A_36 = arith.constant 0 : i32
    %dma_wait3A_37 = tpu.memref_slice %arg6[%add3A_33, %dma_wait3A_36] : memref<819200x64xf32, #tpu.memory_space<hbm>> -> memref<128x64xf32, #tpu.memory_space<hbm>>
    tpu.wait_dma2 semaphore(%arg20 : memref<!tpu.dma_semaphore, #tpu.memory_space<semaphore_mem>>) src(%arg14 : memref<128x64xf32, #tpu.memory_space<vmem>>) dst(%dma_wait3A_37 : memref<128x64xf32, #tpu.memory_space<hbm>>)
    return
  }
}

module attributes {stable_mosaic.version = 14 : i64} {
  func.func @_proj_body(%arg0: i32, %arg1: memref<64x100xf32, #tpu.memory_space<vmem>>, %arg2: memref<8192x100xf32, #tpu.memory_space<vmem>>, %arg3: memref<8192x64xf32, #tpu.memory_space<vmem>>) attributes {dimension_semantics = [#tpu.dimension_semantics<arbitrary>], iteration_bounds = array<i64: 123>, scalar_prefetch = 0 : i64, scratch_operands = 0 : i64, tpu.core_type = #tpu.core_type<tc>, window_params = [{pipeline_mode = #tpu.pipeline_mode<synchronous>, transform_indices = @transform_0, window_bounds = array<i64: 64, 100>}, {transform_indices = @transform_1, window_bounds = array<i64: 8192, 100>}, {transform_indices = @transform_2, window_bounds = array<i64: 8192, 64>}]} {
    %get3A = arith.constant 0 : index
    %get3A_0 = arith.constant 0 : index
    %get3A_1 = vector.load %arg2[%get3A, %get3A_0] : memref<8192x100xf32, #tpu.memory_space<vmem>>, vector<8192x100xf32>
    %get3A_2 = arith.constant 0 : index
    %get3A_3 = arith.constant 0 : index
    %get3A_4 = vector.load %arg1[%get3A_2, %get3A_3] : memref<64x100xf32, #tpu.memory_space<vmem>>, vector<64x100xf32>
    %dot_general3A = arith.constant dense<0.000000e+00> : vector<8192x64xf32>
    %dot_general3A_5 = tpu.matmul %get3A_1, %get3A_4, %dot_general3A {dimension_numbers = #tpu.dot_dimension_numbers<[1], [1], [0], [0], [0, 0, 1, 0], [], []>, transpose_lhs_hint = false} : vector<8192x100xf32>, vector<64x100xf32>, vector<8192x64xf32> -> vector<8192x64xf32>
    %swap3A = arith.constant 0 : index
    %swap3A_6 = arith.constant 0 : index
    %swap3A_7 = vector.load %arg3[%swap3A, %swap3A_6] : memref<8192x64xf32, #tpu.memory_space<vmem>>, vector<8192x64xf32>
    tpu.vector_store %arg3[%swap3A, %swap3A_6], %dot_general3A_5 {strides = array<i32>} : memref<8192x64xf32, #tpu.memory_space<vmem>>, vector<8192x64xf32>,
    return
  }
  func.func @transform_0(%arg0: i32) -> (i32, i32) {
    %c0_i32 = arith.constant 0 : i32
    %c0_i32_0 = arith.constant 0 : i32
    %c0_i32_1 = arith.constant 0 : i32
    return %c0_i32, %c0_i32_0 : i32, i32
  }
  func.func @transform_1(%arg0: i32) -> (i32, i32) {
    %c0_i32 = arith.constant 0 : i32
    %c0_i32_0 = arith.constant 0 : i32
    return %arg0, %c0_i32 : i32, i32
  }
  func.func @transform_2(%arg0: i32) -> (i32, i32) {
    %c0_i32 = arith.constant 0 : i32
    %c0_i32_0 = arith.constant 0 : i32
    return %arg0, %c0_i32 : i32, i32
  }
}

</mosaic_0001>

<sc_bundles>
// kernel: kernel.4.cloned.1.call-start
scs
__scs_entry_jumppad:
0x0: {  	(pc) =	sbr.rel $0x88, $3  }
0x1: {  	(tag) =	ssettag $0x0;
	lr =	simm.s32 $0x1  }
0x2: {  	[smem:$0x3F9C] =	sst lr;
	_ =	strace $0xD0000000  }
0x3: {  	_ = 	snop  }
0x4: {  	_ = 	snop  }
0x5: {  	_ = 	snop  }
0x6: {  	_ = 	snop  }
0x7: {  	_ = 	snop  }
__scs_overlays_trampoline_lowered:
0x8: {  	[smem:$0x3FAB] =	sst s0  }
0x9: {  	[smem:$0x3FAC] =	sst s1  }
0xa: {  	[smem:$0x3FAD] =	sst s2  }
0xb: {  	[smem:$0x3FAE] =	sst s3  }
0xc: {  	[smem:$0x3FAF] =	sst s4  }
0xd: {  	[smem:$0x3FB0] =	sst s5  }
0xe: {  	[smem:$0x3FB1] =	sst s6  }
0xf: {  	[smem:$0x3FB2] =	sst s7  }
0x10: {  	[smem:$0x3FB3] =	sst s8  }
0x11: {  	[smem:$0x3FB4] =	sst s9;
	s0 =	simm.s32 @!p0 $0x0  }
0x12: {  	s1 =	sld [smem:$0x3F9A];
	s0 =	simm.s32 @p0 $0x1  }
0x13: {  	[smem:$0x3FB5] =	sst s0;
	s0 =	simm.s32 @!p1 $0x0  }
0x14: {  	s2 =	sld [smem:$0x3F99];
	s0 =	simm.s32 @p1 $0x1  }
0x15: {  	[smem:$0x3FB6] =	sst s0;
	s0 =	simm.s32 @!p2 $0x0  }
0x16: {  	s3 =	sld [smem:$0x3FDB];
	s0 =	simm.s32 @p2 $0x1  }
0x17: {  	s4 =	simm.s32 $0x1BF5;
	[smem:$0x3FB8] =	sst s0  }
0x18: {  	s0 =	sld [smem:$0x3F9B];
	_ =	swait.ge [sflag:s4], $0x0  }
0x19: {  	s7 =	sld [smem:$0x3F9C]  }
0x1a: {  	s8 =	sadd.s32 $0xFFFFE003, lr  }
0x1b: {  	s9 =	sadd.s32 $0xFFFFFEF7, lr;
	s5 =	simm.s32 $0xFFFFFFFF;
	p2 =	slt.u32 s8, $0xFFFFF086  }
0x1c: {  	p1 =	slt.u32 s9, $0xF7A;
	s5 =	simm.s32 @!p2 $0x0  }
0x1d: {  	s5 =	simm.s32 @p1 $0x1;
	p0 =	seq.s32 s7, s2  }
0x1e: {  	s7 =	smul.u32 @!p0 $0xF7A, s2;
	p2 =	seq.s32 @!p0 s5, $0x0  }
0x1f: {  	s9 =	smul.u32 $0xF7A, s1;
	s8 =	simm.s32 @!p0 $0x1BF5;
	p2 =	por !p2, p0  }
0x20: {  	[sflag:s8] =	ssyncset.s32 @!p0 $0xFFFFF086;
	s6 =	sadd.s32 @!p0 s3, s7;
	s7 =	simm.s32 @!p0 $0x108  }
0x21: {  	s3 =	sadd.s32 s3, s9;
	s6 =	sadd.s32 @!p0 $0x88, s6;
	s7 =	simm.s32 @p2 $0x1082  }
0x22: {  	[simem:s7], [sflag:s8] =	dma.local @!p0 [hbm:s6], $0xF7A  }
0x23: {  	s9 =	sor.u32 $0xD0000000, s2;
	s6 =	simm.s32 $0x108;
	_ =	swait.ge @!p0 [sflag:s8], $0x0  }
0x24: {  	s3 =	sadd.s32 $0x88, s3;
	s6 =	simm.s32 @!p1 $0x1082;
	[sflag:s4] =	ssyncset.s32 $0xFFFFF086  }
0x25: {  	[simem:s6], [sflag:s4] =	dma.local [hbm:s3], $0xF7A  }
0x26: {  	[smem:$0x3F9C] =	sst s1;
	(tag) =	ssettag s2;
	_ =	strace s9  }
0x27: {  	s1 =	sld [smem:$0x3FAC]  }
0x28: {  	s2 =	sld [smem:$0x3FAD]  }
0x29: {  	s4 =	sld [smem:$0x3FAF]  }
0x2a: {  	p0 =	seq.s32 s5, $0x0;
	s5 =	sld [smem:$0x3FB0]  }
0x2b: {  	s6 =	sld [smem:$0x3FB1]  }
0x2c: {  	s7 =	sld [smem:$0x3FB2]  }
0x2d: {  	s3 =	simm.s32 $0x108;
	s8 =	sld [smem:$0x3FB3]  }
0x2e: {  	s3 =	simm.s32 @!p0 $0x1082;
	s9 =	sld [smem:$0x3FB4]  }
0x2f: {  	lr =	sadd.s32 s0, s3;
	s0 =	sld [smem:$0x3FAB]  }
0x30: {  	s3 =	sld [smem:$0x3FAE]  }
0x31: {  	[smem:$0x3FB7] =	sst s10  }
0x32: {  	s10 =	sld [smem:$0x3FB5];
	_ =	sdelay $0x3  }
0x33: {  	p0 =	seq.s32 s10, $0x1;
	s10 =	sld [smem:$0x3FB7];
	_ =	sdelay $0x3  }
0x34: {  	[smem:$0x3FB7] =	sst s10  }
0x35: {  	s10 =	sld [smem:$0x3FB6];
	_ =	sdelay $0x3  }
0x36: {  	p1 =	seq.s32 s10, $0x1;
	s10 =	sld [smem:$0x3FB7];
	_ =	sdelay $0x3  }
0x37: {  	[smem:$0x3FB7] =	sst s10  }
0x38: {  	s10 =	sld [smem:$0x3FB8]  }
0x39: {  	_ = 	snop;
	(pc) =	sbr.ind lr, $3  }
0x3a: {  	_ = 	snop  }
0x3b: {  	_ = 	snop  }
0x3c: {  	p2 =	seq.s32 s10, $0x1;
	s10 =	sld [smem:$0x3FB7]  }
0x3d: {  	_ =	shalt  }
0x3e: {  	_ =	shalt  }
0x3f: {  	_ =	shalt  }
0x40: {  	_ =	shalt  }
0x41: {  	_ =	shalt  }
0x42: {  	_ =	shalt  }
0x43: {  	_ =	shalt  }
0x44: {  	_ =	shalt  }
0x45: {  	_ =	shalt  }
0x46: {  	_ =	shalt  }
0x47: {  	_ =	shalt  }
0x48: {  	_ =	shalt  }
0x49: {  	_ =	shalt  }
0x4a: {  	_ =	shalt  }
0x4b: {  	_ =	shalt  }
0x4c: {  	_ =	shalt  }
0x4d: {  	_ =	shalt  }
0x4e: {  	_ =	shalt  }
0x4f: {  	_ =	shalt  }
0x50: {  	_ =	shalt  }
0x51: {  	_ =	shalt  }
0x52: {  	_ =	shalt  }
0x53: {  	_ =	shalt  }
0x54: {  	_ =	shalt  }
0x55: {  	_ =	shalt  }
0x56: {  	_ =	shalt  }
0x57: {  	_ =	shalt  }
0x58: {  	_ =	shalt  }
0x59: {  	_ =	shalt  }
0x5a: {  	_ =	shalt  }
0x5b: {  	_ =	shalt  }
0x5c: {  	_ =	shalt  }
0x5d: {  	_ =	shalt  }
0x5e: {  	_ =	shalt  }
0x5f: {  	_ =	shalt  }
0x60: {  	_ =	shalt  }
0x61: {  	_ =	shalt  }
0x62: {  	_ =	shalt  }
0x63: {  	_ =	shalt  }
0x64: {  	_ =	shalt  }
0x65: {  	_ =	shalt  }
0x66: {  	_ =	shalt  }
0x67: {  	_ =	shalt  }
0x68: {  	_ =	shalt  }
0x69: {  	_ =	shalt  }
0x6a: {  	_ =	shalt  }
0x6b: {  	_ =	shalt  }
0x6c: {  	_ =	shalt  }
0x6d: {  	_ =	shalt  }
0x6e: {  	_ =	shalt  }
0x6f: {  	_ =	shalt  }
0x70: {  	_ =	shalt  }
0x71: {  	_ =	shalt  }
0x72: {  	_ =	shalt  }
0x73: {  	_ =	shalt  }
0x74: {  	_ =	shalt  }
0x75: {  	_ =	shalt  }
0x76: {  	_ =	shalt  }
0x77: {  	_ =	shalt  }
0x78: {  	_ =	shalt  }
0x79: {  	_ =	shalt  }
0x7a: {  	_ =	shalt  }
0x7b: {  	_ =	shalt  }
0x7c: {  	_ =	shalt  }
0x7d: {  	_ =	shalt  }
0x7e: {  	_ =	shalt  }
0x7f: {  	_ =	shalt  }
0x80: {  	_ =	shalt  }
0x81: {  	_ =	shalt  }
0x82: {  	_ =	shalt  }
0x83: {  	_ =	shalt  }
0x84: {  	_ =	shalt  }
0x85: {  	_ =	shalt  }
0x86: {  	_ =	shalt  }
0x87: {  	_ =	shalt  }
.Lfunc_end0:
.L_simem_size_0:
called_computation.1_lowered:
.L_overlay_start_0:
0x88: {  	s2 =	sld [smem:$0x3FD9]  }
0x89: {  	s3 =	sld [smem:$0x3FFE];
	_ =	sdelay $0x1  }
0x8a: {  	s1 =	srdreg.scid  }
0x8b: {  	s0 =	sand.u32 $0x1, s1  }
0x8c: {  	s17 =	sshll.u32 s0, $0xA;
	s2 =	sadd.s32 s3, s2  }
0x8d: {  	s2 =	sadd.s32 s2, s17  }
0x8e: {  	[smem:$0x3FC3] =	sst s2  }
0x8f: {  	_ = 	snop  }
0x90: {  	s2 =	sld [smem:$0x3FD0];
	(tm) =	ssettm $0x1  }
0x91: {  	s18 =	sld [smem:$0x3FFB];
	_ =	sdelay $0x3  }
0x92: {  	_ =	strace s18  }
0x93: {  	s3 =	sld [smem:$0x3FFC];
	_ =	sdelay $0x3  }
0x94: {  	_ =	strace s3  }
0x95: {  	s3 =	sld [smem:$0x3FFD];
	_ =	sdelay $0x3  }
0x96: {  	_ =	strace s3  }
0x97: {  	_ =	strace $0x8FFFFFFF  }
0x98: {  	s19 =	sld [smem:$0x3FDB];
	_ =	sdelay $0x1  }
0x99: {  	s4 =	simm.s32 $_scs_section_size  }
0x9a: {  	s5 =	simm.s32 $_size__tile_overlayer_lowered;
	s6 =	simm.s32 $_tile_overlayer_lowered  }
0x9b: {  	s22 =	simm.s32 $0x1BFF;
	s21 =	sshll.u32 s6, $0x1;
	s3 =	sadd.s32 s4, s19  }
0x9c: {  	s7 =	simm.s32 $0x0;
	s20 =	sshll.u32 s5, $0x1;
	s5 =	sadd.s32 s21, s3  }
0x9d: {  	[timem:s7], [sflag:s22] =	dma.local [hbm:s5], s20  }
0x9e: {  	_ =	swait.ge [sflag:s22], s20  }
0x9f: {  	s4 =	ssub.s32 $0x0, s20;
	[sflag:s22] =	ssyncset.done $0x0  }
0xa0: {  	[sflag:s22] =	ssyncadd.s32 s4;
	_ =	sdelay $0x1  }
0xa1: {  	s23 =	simm.s32 $0x1B8B  }
0xa2: {  	_ =	swait.ge [sflag:s23], $0x1  }
0xa3: {  	[sflag:s23] =	ssyncset.done $0x0  }
0xa4: {  	s25 =	simm.s32 $0x1B8E;
	s24 =	sld [smem:$0x3FFE];
	[sflag:s23] =	ssyncadd.s32 $0xFFFFFFFF  }
0xa5: {  	s26 =	simm.s32 $execute0_lowered;
	[smem:$0x3FD2] =	sst s25  }
0xa6: {  	s5 =	sshll.u32 s26, $0x1;
	_ =	strace $0x80000046;
	[dreg:$0x1] =	wrdreg $0xFFFFFFFF  }
0xa7: {  	s28 =	simm.s32 $_size_execute0_lowered;
	s3 =	sadd.s32 s3, s5;
	[dreg:$0x0] =	wrdreg $0x0  }
0xa8: {  	s5 =	sshll.u32 s28, $0x1;
	[dreg:$0x2] =	wrdreg s3  }
0xa9: {  	[dreg:$0x3] =	wrdreg s5  }
0xaa: {  	[dreg:$0x4] =	wrdreg $0xC0  }
0xab: {  	_ =	task [dreg:s7], $0x5FFFF  }
0xac: {  	[dreg:$0x1] =	wrdreg $0xFFFFFFFF  }
0xad: {  	[dreg:$0x0] =	wrdreg $0x60  }
0xae: {  	[dreg:$0x2] =	wrdreg s24  }
0xaf: {  	[dreg:$0x3] =	wrdreg s2  }
0xb0: {  	[dreg:$0x4] =	wrdreg $0x9  }
0xb1: {  	_ =	task.clear_ibuf [dreg:s7], $0x5FFFF;
	_ =	strace $0x90000046  }
0xb2: {  	s29 =	simm.s32 $0x9;
	_ =	strace $0x80000048  }
0xb3: {  	_ =	swait.ge [sflag:s29], $0x1  }
0xb4: {  	[sflag:s29] =	ssyncadd.s32 $0xFFFFFFFF  }
0xb5: {  	_ =	strace $0x90000048  }
0xb6: {  	_ =	sfence  }
0xb7: {  	s30 =	sld [smem:$0x0];
	_ =	sdelay $0x2  }
0xb8: {  	s31 =	sshll.u32 s1, $0xD;
	s1 =	sshrl.u32 s1, $0x2  }
0xb9: {  	s3 =	sand.u32 $0x4000, s31;
	s1 =	sadd.s32 s1, s30  }
0xba: {  	s0 =	sor.u32 s3, s0;
	s1 =	sshll.u32 s1, $0x11  }
0xbb: {  	s0 =	sor.u32 s1, s0  }
0xbc: {  	s0 =	sadd.s32 $0x8F2B, s0  }
0xbd: {  	[sflag:s0] =	ssyncadd.remote.s32 $0x1  }
0xbe: {  	_ =	sfence.sel $0xFFFF  }
0xbf: {  	[dreg:$0x0] =	wrdreg $0xFFFFFFFF;
	(pc) =	sbr.abs _section_cstart, $3  }
0xc0: {  	[dreg:$0x1] =	wrdreg $0xFFFFFFFF  }
0xc1: {  	_ =	task.clear_ibuf [dreg:s7], $0x2FFFF;
	_ =	strace $0x9FFFFFFF  }
0xc2: {  	(tm) =	ssettm $0x7FFFFFFF  }
0xc3: {  	_ =	shalt  }
tec
execute0_lowered:
.L_overlay_start_1:
0x0: {  	(tag) =	ssettag $0x1  }
0x1: {  	s0 =	srdreg.scid  }
0x2: {  	s2 =	stileid.u32;
	s1 =	rddreg [dreg:$0x0]  }
0x3: {  	s11 =	simm.s32 $0x7;
	s12 =	simm.s32 $0x6400;
	s13 =	simm.s32 $0x80  }
0x4: {  	s18 =	simm.s32 $0x12800;
	s19 =	simm.s32 $0x1;
	s20 =	simm.s32 $0x3  }
0x5: {  	s21 =	simm.s32 $0x14800;
	s22 =	simm.s32 $0x2;
	s23 =	simm.s32 $0x4  }
0x6: {  	s24 =	simm.s32 $0x16800;
	s25 =	simm.s32 $0x5;
	s26 =	simm.s32 $0x6  }
0x7: {  	s28 =	simm.s32 $0x0;
	s0 =	sand.u32 $0x1, s0;
	s3 =	sshll.u32 s2, $0x1  }
0x8: {  	s2 =	rddreg [dreg:$0x1];
	s4 =	sadd.s32 $0x1000, s1;
	s8 =	sor.u32 s0, s3  }
0x9: {  	s3 =	simm.s32 $0x0;
	s0 =	ssub.s32 $0x2, s0;
	s9 =	smul.u32 $0x6400, s8  }
0xa: {  	[smem:$0x7FF] =	sst s3;
	s6 =	sshrl.u32 s0, $0x1;
	s8 =	smul.u32 $0x190000, s8  }
0xb: {  	_ =	strace $0x80000047;
	s0 =	ssub.s32 s0, s6;
	s5 =	sshrl.u32 s9, $0x3  }
0xc: {  	s9 =	sor.u32 $0x80, s9;
	s7 =	sadd.s32 s5, s1;
	s5 =	sadd.s32 $0x7B1000, s1  }
0xd: {  	s10 =	smax.u32 s0, $0x1;
	s6 =	sadd.s32 $0x88D600, s7;
	s7 =	sadd.s32 $0x874600, s7  }
.LBB2_1:
0xe: {  	[tilespmem:s3], [sflag:$0x7] =	stream.linear.gather [hbm4b:s6+s3], $0x6400, $0x38;
	[tilespmem:$0x18800] =	vst v63  }
0xf: {  	_ =	swait.ge [sflag:s11], $0x6400  }
0x10: {  	[sflag:s11] =	ssyncset.done $0x0  }
0x11: {  	[sflag:s11] =	ssyncadd.s32 $0xFFFF9C00  }
0x12: {  	[tilespmem:s12], [sflag:$0x7] =	stream.linear.gather [hbm4b:s7+s3], $0x6400, $0x38;
	[tilespmem:$0x18800] =	vst v63  }
0x13: {  	_ =	swait.ge [sflag:s11], $0x6400  }
0x14: {  	[sflag:s11] =	ssyncset.done $0x0  }
0x15: {  	s0 =	simm.s32 $0xC800;
	[sflag:s11] =	ssyncadd.s32 $0xFFFF9C00  }
0x16: {  	[tilespmem:s0], [sflag:$0x1] =	stream.indirect.gather [hbm4b:s4+s13], $0x40, s3, s13, $0xb8;
	[tilespmem:$0x18800] =	vst v63  }
0x17: {  	s17 =	simm.s32 $0x10800  }
0x18: {  	[tilespmem:s17], [sflag:$0x3] =	stream.indirect.gather [hbm4b:s5+s13], $0x40, s12, s13, $0xb8;
	[tilespmem:$0x18800] =	vst v63  }
0x19: {  	s30 =	simm.s32 $0xE800  }
0x1a: {  	[tilespmem:s30], [sflag:$0x2] =	stream.indirect.gather [hbm4b:s4+s13], $0x40, s13, s13, $0xb8;
	[tilespmem:$0x18800] =	vst v63  }
0x1b: {  	s31 =	simm.s32 $0x6480;
	s29 =	simm.s32 $0x0  }
0x1c: {  	[tilespmem:s18], [sflag:$0x4] =	stream.indirect.gather [hbm4b:s5+s13], $0x40, s31, s13, $0xb8;
	[tilespmem:$0x18800] =	vst v63  }
.LBB2_2:
0x1d: {  	_ =	swait.ge [sflag:s19], $0x2000  }
0x1e: {  	[sflag:s19] =	ssyncset.done $0x0  }
0x1f: {  	[sflag:s19] =	ssyncadd.s32 $0xFFFFE000  }
0x20: {  	_ =	swait.ge [sflag:s20], $0x2000  }
0x21: {  	p1 =	seq.s32 s29, $0x0;
	[sflag:s20] =	ssyncset.done $0x0  }
0x22: {  	s0 =	simm.s32 @!p1 $0x5;
	[sflag:s20] =	ssyncadd.s32 $0xFFFFE000  }
0x23: {  	_ =	swait.ge @!p1 [sflag:s0], $0x2000  }
0x24: {  	[sflag:s0] =	ssyncset.done @!p1 $0x0  }
0x25: {  	s1 =	simm.s32 $0xC880;
	[sflag:s0] =	ssyncadd.s32 @!p1 $0xFFFFE000  }
0x26: {  	s0 =	simm.s32 $0x10880;
	v0 =	vld [tilespmem:s1+$0xFFFFFF80]  }
0x27: {  	v1 =	vld [tilespmem:s0+$0xFFFFFF80];
	_ =	sdelay $0x4  }
0x28: {  	v0 =	vadd.f32 v1, v0  }
0x29: {  	s31 =	simm.s32 $0x14880  }
0x2a: {  	[tilespmem:s31+$0xFFFFFF80] =	vst v0  }
0x2b: {  	v0 =	vld [tilespmem:s0+$0xFFFFFF90]  }
0x2c: {  	v1 =	vld [tilespmem:s1+$0xFFFFFF90];
	_ =	sdelay $0x4  }
0x2d: {  	v0 =	vadd.f32 v0, v1;
	_ =	sdelay $0x1  }
0x2e: {  	[tilespmem:s31+$0xFFFFFF90] =	vst v0  }
0x2f: {  	v0 =	vld [tilespmem:s1+$0xFFFFFFA0]  }
0x30: {  	v1 =	vld [tilespmem:s0+$0xFFFFFFA0];
	_ =	sdelay $0x4  }
0x31: {  	v0 =	vadd.f32 v1, v0;
	_ =	sdelay $0x1  }
0x32: {  	[tilespmem:s31+$0xFFFFFFA0] =	vst v0  }
0x33: {  	v0 =	vld [tilespmem:s1+$0xFFFFFFB0]  }
0x34: {  	v1 =	vld [tilespmem:s0+$0xFFFFFFB0];
	_ =	sdelay $0x4  }
0x35: {  	v0 =	vadd.f32 v1, v0;
	_ =	sdelay $0x1  }
0x36: {  	[tilespmem:s31+$0xFFFFFFB0] =	vst v0  }
0x37: {  	v0 =	vld [tilespmem:s1+$0xFFFFFFC0]  }
0x38: {  	v1 =	vld [tilespmem:s0+$0xFFFFFFC0];
	_ =	sdelay $0x4  }
0x39: {  	v0 =	vadd.f32 v1, v0;
	_ =	sdelay $0x1  }
0x3a: {  	[tilespmem:s31+$0xFFFFFFC0] =	vst v0  }
0x3b: {  	v0 =	vld [tilespmem:s1+$0xFFFFFFD0]  }
0x3c: {  	v1 =	vld [tilespmem:s0+$0xFFFFFFD0];
	_ =	sdelay $0x4  }
0x3d: {  	v0 =	vadd.f32 v1, v0;
	_ =	sdelay $0x1  }
0x3e: {  	[tilespmem:s31+$0xFFFFFFD0] =	vst v0  }
0x3f: {  	v0 =	vld [tilespmem:s1+$0xFFFFFFE0]  }
0x40: {  	v1 =	vld [tilespmem:s0+$0xFFFFFFE0];
	_ =	sdelay $0x4  }
0x41: {  	v0 =	vadd.f32 v1, v0;
	_ =	sdelay $0x1  }
0x42: {  	[tilespmem:s31+$0xFFFFFFE0] =	vst v0  }
0x43: {  	v0 =	vld [tilespmem:s1+$0xFFFFFFF0]  }
0x44: {  	v1 =	vld [tilespmem:s0+$0xFFFFFFF0];
	_ =	sdelay $0x4  }
0x45: {  	v0 =	vadd.f32 v1, v0;
	_ =	sdelay $0x1  }
0x46: {  	[tilespmem:s31+$0xFFFFFFF0] =	vst v0  }
0x47: {  	v0 =	vld [tilespmem:s1+$0x0]  }
0x48: {  	v1 =	vld [tilespmem:s0+$0x0];
	_ =	sdelay $0x4  }
0x49: {  	v0 =	vadd.f32 v1, v0;
	_ =	sdelay $0x1  }
0x4a: {  	[tilespmem:s31+$0x0] =	vst v0  }
0x4b: {  	v0 =	vld [tilespmem:s1+$0x10]  }
0x4c: {  	v1 =	vld [tilespmem:s0+$0x10];
	_ =	sdelay $0x4  }
0x4d: {  	v0 =	vadd.f32 v1, v0;
	_ =	sdelay $0x1  }
0x4e: {  	[tilespmem:s31+$0x10] =	vst v0  }
0x4f: {  	v0 =	vld [tilespmem:s1+$0x20]  }
0x50: {  	v1 =	vld [tilespmem:s0+$0x20];
	_ =	sdelay $0x4  }
0x51: {  	v0 =	vadd.f32 v1, v0;
	_ =	sdelay $0x1  }
0x52: {  	[tilespmem:s31+$0x20] =	vst v0  }
0x53: {  	v0 =	vld [tilespmem:s1+$0x30]  }
0x54: {  	v1 =	vld [tilespmem:s0+$0x30];
	_ =	sdelay $0x4  }
0x55: {  	v0 =	vadd.f32 v1, v0;
	_ =	sdelay $0x1  }
0x56: {  	[tilespmem:s31+$0x30] =	vst v0  }
0x57: {  	v0 =	vld [tilespmem:s1+$0x40]  }
0x58: {  	v1 =	vld [tilespmem:s0+$0x40];
	_ =	sdelay $0x4  }
0x59: {  	v0 =	vadd.f32 v1, v0;
	_ =	sdelay $0x1  }
0x5a: {  	[tilespmem:s31+$0x40] =	vst v0  }
0x5b: {  	v0 =	vld [tilespmem:s1+$0x50]  }
0x5c: {  	v1 =	vld [tilespmem:s0+$0x50];
	_ =	sdelay $0x4  }
0x5d: {  	v0 =	vadd.f32 v1, v0;
	_ =	sdelay $0x1  }
0x5e: {  	[tilespmem:s31+$0x50] =	vst v0  }
0x5f: {  	s30 =	sshll.u32 s29, $0x8;
	s14 =	simm.s32 $0x0;
	v0 =	vld [tilespmem:s1+$0x60]  }
0x60: {  	s17 =	simm.s32 $0x14980;
	s15 =	simm.s32 $0xC880;
	s16 =	simm.s32 $0x10880;
	v1 =	vld [tilespmem:s0+$0x60]  }
.LBB2_3:
0x61: {  	s14 =	sadd.s32 $0x4, s14;
	s1 =	sadd.s32 $0x100, s1;
	s0 =	sadd.s32 $0x100, s0  }
0x62: {  	p0 =	slt.u32 s14, $0x7C;
	_ =	sdelay $0x2  }
0x63: {  	v0 =	vadd.f32 v1, v0;
	_ =	sdelay $0x1  }
0x64: {  	[tilespmem:s31+$0x60] =	vst v0  }
0x65: {  	v0 =	vld [tilespmem:s15+$0x70];
	s15 =	smov.u32 s1  }
0x66: {  	v1 =	vld [tilespmem:s16+$0x70];
	s16 =	smov.u32 s0;
	_ =	sdelay $0x4  }
0x67: {  	v0 =	vadd.f32 v1, v0;
	_ =	sdelay $0x1  }
0x68: {  	[tilespmem:s31+$0x70] =	vst v0;
	s31 =	smov.u32 s17  }
0x69: {  	v0 =	vld [tilespmem:s1+$0xFFFFFF80]  }
0x6a: {  	v1 =	vld [tilespmem:s0+$0xFFFFFF80];
	_ =	sdelay $0x4  }
0x6b: {  	v0 =	vadd.f32 v1, v0;
	_ =	sdelay $0x1  }
0x6c: {  	[tilespmem:s17+$0xFFFFFF80] =	vst v0  }
0x6d: {  	v0 =	vld [tilespmem:s0+$0xFFFFFF90]  }
0x6e: {  	v1 =	vld [tilespmem:s1+$0xFFFFFF90];
	_ =	sdelay $0x4  }
0x6f: {  	v0 =	vadd.f32 v0, v1;
	_ =	sdelay $0x1  }
0x70: {  	[tilespmem:s17+$0xFFFFFF90] =	vst v0  }
0x71: {  	v0 =	vld [tilespmem:s1+$0xFFFFFFA0]  }
0x72: {  	v1 =	vld [tilespmem:s0+$0xFFFFFFA0];
	_ =	sdelay $0x4  }
0x73: {  	v0 =	vadd.f32 v1, v0;
	_ =	sdelay $0x1  }
0x74: {  	[tilespmem:s17+$0xFFFFFFA0] =	vst v0  }
0x75: {  	v0 =	vld [tilespmem:s1+$0xFFFFFFB0]  }
0x76: {  	v1 =	vld [tilespmem:s0+$0xFFFFFFB0];
	_ =	sdelay $0x4  }
0x77: {  	v0 =	vadd.f32 v1, v0;
	_ =	sdelay $0x1  }
0x78: {  	[tilespmem:s17+$0xFFFFFFB0] =	vst v0  }
0x79: {  	v0 =	vld [tilespmem:s1+$0xFFFFFFC0]  }
0x7a: {  	v1 =	vld [tilespmem:s0+$0xFFFFFFC0];
	_ =	sdelay $0x4  }
0x7b: {  	v0 =	vadd.f32 v1, v0;
	_ =	sdelay $0x1  }
0x7c: {  	[tilespmem:s17+$0xFFFFFFC0] =	vst v0  }
0x7d: {  	v0 =	vld [tilespmem:s1+$0xFFFFFFD0]  }
0x7e: {  	v1 =	vld [tilespmem:s0+$0xFFFFFFD0];
	_ =	sdelay $0x4  }
0x7f: {  	v0 =	vadd.f32 v1, v0;
	_ =	sdelay $0x1  }
0x80: {  	[tilespmem:s17+$0xFFFFFFD0] =	vst v0  }
0x81: {  	v0 =	vld [tilespmem:s1+$0xFFFFFFE0]  }
0x82: {  	v1 =	vld [tilespmem:s0+$0xFFFFFFE0];
	_ =	sdelay $0x4  }
0x83: {  	v0 =	vadd.f32 v1, v0;
	_ =	sdelay $0x1  }
0x84: {  	[tilespmem:s17+$0xFFFFFFE0] =	vst v0  }
0x85: {  	v0 =	vld [tilespmem:s1+$0xFFFFFFF0]  }
0x86: {  	v1 =	vld [tilespmem:s0+$0xFFFFFFF0];
	_ =	sdelay $0x4  }
0x87: {  	v0 =	vadd.f32 v1, v0;
	_ =	sdelay $0x1  }
0x88: {  	[tilespmem:s17+$0xFFFFFFF0] =	vst v0  }
0x89: {  	v0 =	vld [tilespmem:s1+$0x0]  }
0x8a: {  	v1 =	vld [tilespmem:s0+$0x0];
	_ =	sdelay $0x4  }
0x8b: {  	v0 =	vadd.f32 v1, v0;
	_ =	sdelay $0x1  }
0x8c: {  	[tilespmem:s17+$0x0] =	vst v0  }
0x8d: {  	v0 =	vld [tilespmem:s1+$0x10]  }
0x8e: {  	v1 =	vld [tilespmem:s0+$0x10];
	_ =	sdelay $0x4  }
0x8f: {  	v0 =	vadd.f32 v1, v0;
	_ =	sdelay $0x1  }
0x90: {  	[tilespmem:s17+$0x10] =	vst v0  }
0x91: {  	v0 =	vld [tilespmem:s1+$0x20]  }
0x92: {  	v1 =	vld [tilespmem:s0+$0x20];
	_ =	sdelay $0x4  }
0x93: {  	v0 =	vadd.f32 v1, v0;
	_ =	sdelay $0x1  }
0x94: {  	[tilespmem:s17+$0x20] =	vst v0  }
0x95: {  	v0 =	vld [tilespmem:s1+$0x30]  }
0x96: {  	v1 =	vld [tilespmem:s0+$0x30];
	_ =	sdelay $0x4  }
0x97: {  	v0 =	vadd.f32 v1, v0;
	_ =	sdelay $0x1  }
0x98: {  	[tilespmem:s17+$0x30] =	vst v0  }
0x99: {  	v0 =	vld [tilespmem:s1+$0x40]  }
0x9a: {  	v1 =	vld [tilespmem:s0+$0x40];
	_ =	sdelay $0x4  }
0x9b: {  	v0 =	vadd.f32 v1, v0;
	_ =	sdelay $0x1  }
0x9c: {  	[tilespmem:s17+$0x40] =	vst v0  }
0x9d: {  	v0 =	vld [tilespmem:s1+$0x50]  }
0x9e: {  	v1 =	vld [tilespmem:s0+$0x50];
	_ =	sdelay $0x4  }
.Ltmp0:
0x9f: {  	v0 =	vadd.f32 v1, v0;
	(pc) =	sbr.rel @p0 .LBB2_3-.Ltmp0, $4  }
0xa0: {  	_ = 	snop  }
0xa1: {  	[tilespmem:s17+$0x50] =	vst v0  }
0xa2: {  	v0 =	vld [tilespmem:s1+$0x60]  }
0xa3: {  	s17 =	sadd.s32 $0x100, s17;
	v1 =	vld [tilespmem:s0+$0x60]  }
0xa4: {  	_ =	sdelay $0x3  }
0xa5: {  	v0 =	vadd.f32 v1, v0;
	_ =	sdelay $0x1  }
0xa6: {  	[tilespmem:s31+$0x60] =	vst v0  }
0xa7: {  	v0 =	vld [tilespmem:s15+$0x70]  }
0xa8: {  	v1 =	vld [tilespmem:s16+$0x70];
	_ =	sdelay $0x4  }
0xa9: {  	v0 =	vadd.f32 v1, v0  }
0xaa: {  	p0 =	seq.s32 s29, $0x63  }
0xab: {  	s0 =	sadd.s32 @!p0 $0x100, s30;
	s1 =	simm.s32 @!p0 $0x80;
	s14 =	simm.s32 @!p0 $0xC800;
	[tilespmem:s31+$0x70] =	vst v0  }
0xac: {  	[tilespmem:s14], [sflag:$0x1] =	stream.indirect.gather @!p0 [hbm4b:s4+s1], $0x40, s0, s1, $0xb8;
	[tilespmem:$0x18800] =	vst v63  }
0xad: {  	s17 =	sshll.u32 s29, $0xE;
	s0 =	sadd.s32 @!p0 $0x6500, s30;
	s14 =	simm.s32 @!p0 $0x10800  }
0xae: {  	[tilespmem:s14], [sflag:$0x3] =	stream.indirect.gather @!p0 [hbm4b:s5+s1], $0x40, s0, s1, $0xb8;
	[tilespmem:$0x18800] =	vst v63  }
0xaf: {  	s0 =	sadd.s32 s8, s17  }
0xb0: {  	s0 =	sshrl.u32 s0, $0x3  }
0xb1: {  	s0 =	sadd.s32 s2, s0  }
0xb2: {  	[hbm4b:s0+s3] =	stream.linear.scatter [tilespmem:s21], [sflag:$0x5], $0x2000, $0x38;
	[tilespmem:$0x18800] =	vst v63  }
0xb3: {  	_ =	swait.ge [sflag:s22], $0x2000  }
0xb4: {  	[sflag:s22] =	ssyncset.done $0x0  }
0xb5: {  	[sflag:s22] =	ssyncadd.s32 $0xFFFFE000  }
0xb6: {  	_ =	swait.ge [sflag:s23], $0x2000  }
0xb7: {  	[sflag:s23] =	ssyncset.done $0x0  }
0xb8: {  	s0 =	simm.s32 @!p1 $0x6;
	[sflag:s23] =	ssyncadd.s32 $0xFFFFE000  }
0xb9: {  	_ =	swait.ge @!p1 [sflag:s0], $0x2000  }
0xba: {  	[sflag:s0] =	ssyncset.done @!p1 $0x0  }
0xbb: {  	[sflag:s0] =	ssyncadd.s32 @!p1 $0xFFFFE000;
	s0 =	simm.s32 $0xE880  }
0xbc: {  	s31 =	simm.s32 $0x12880;
	v0 =	vld [tilespmem:s0+$0xFFFFFF80]  }
0xbd: {  	v1 =	vld [tilespmem:s31+$0xFFFFFF80];
	_ =	sdelay $0x4  }
0xbe: {  	v0 =	vadd.f32 v1, v0  }
0xbf: {  	s1 =	simm.s32 $0x16880  }
0xc0: {  	[tilespmem:s1+$0xFFFFFF80] =	vst v0  }
0xc1: {  	v0 =	vld [tilespmem:s31+$0xFFFFFF90]  }
0xc2: {  	v1 =	vld [tilespmem:s0+$0xFFFFFF90];
	_ =	sdelay $0x4  }
0xc3: {  	v0 =	vadd.f32 v0, v1;
	_ =	sdelay $0x1  }
0xc4: {  	[tilespmem:s1+$0xFFFFFF90] =	vst v0  }
0xc5: {  	v0 =	vld [tilespmem:s0+$0xFFFFFFA0]  }
0xc6: {  	v1 =	vld [tilespmem:s31+$0xFFFFFFA0];
	_ =	sdelay $0x4  }
0xc7: {  	v0 =	vadd.f32 v1, v0;
	_ =	sdelay $0x1  }
0xc8: {  	[tilespmem:s1+$0xFFFFFFA0] =	vst v0  }
0xc9: {  	v0 =	vld [tilespmem:s0+$0xFFFFFFB0]  }
0xca: {  	v1 =	vld [tilespmem:s31+$0xFFFFFFB0];
	_ =	sdelay $0x4  }
0xcb: {  	v0 =	vadd.f32 v1, v0;
	_ =	sdelay $0x1  }
0xcc: {  	[tilespmem:s1+$0xFFFFFFB0] =	vst v0  }
0xcd: {  	v0 =	vld [tilespmem:s0+$0xFFFFFFC0]  }
0xce: {  	v1 =	vld [tilespmem:s31+$0xFFFFFFC0];
	_ =	sdelay $0x4  }
0xcf: {  	v0 =	vadd.f32 v1, v0;
	_ =	sdelay $0x1  }
0xd0: {  	[tilespmem:s1+$0xFFFFFFC0] =	vst v0  }
0xd1: {  	v0 =	vld [tilespmem:s0+$0xFFFFFFD0]  }
0xd2: {  	v1 =	vld [tilespmem:s31+$0xFFFFFFD0];
	_ =	sdelay $0x4  }
0xd3: {  	v0 =	vadd.f32 v1, v0;
	_ =	sdelay $0x1  }
0xd4: {  	[tilespmem:s1+$0xFFFFFFD0] =	vst v0  }
0xd5: {  	v0 =	vld [tilespmem:s0+$0xFFFFFFE0]  }
0xd6: {  	v1 =	vld [tilespmem:s31+$0xFFFFFFE0];
	_ =	sdelay $0x4  }
0xd7: {  	v0 =	vadd.f32 v1, v0;
	_ =	sdelay $0x1  }
0xd8: {  	[tilespmem:s1+$0xFFFFFFE0] =	vst v0  }
0xd9: {  	v0 =	vld [tilespmem:s0+$0xFFFFFFF0]  }
0xda: {  	v1 =	vld [tilespmem:s31+$0xFFFFFFF0];
	_ =	sdelay $0x4  }
0xdb: {  	v0 =	vadd.f32 v1, v0;
	_ =	sdelay $0x1  }
0xdc: {  	[tilespmem:s1+$0xFFFFFFF0] =	vst v0  }
0xdd: {  	v0 =	vld [tilespmem:s0+$0x0]  }
0xde: {  	v1 =	vld [tilespmem:s31+$0x0];
	_ =	sdelay $0x4  }
0xdf: {  	v0 =	vadd.f32 v1, v0;
	_ =	sdelay $0x1  }
0xe0: {  	[tilespmem:s1+$0x0] =	vst v0  }
0xe1: {  	v0 =	vld [tilespmem:s0+$0x10]  }
0xe2: {  	v1 =	vld [tilespmem:s31+$0x10];
	_ =	sdelay $0x4  }
0xe3: {  	v0 =	vadd.f32 v1, v0;
	_ =	sdelay $0x1  }
0xe4: {  	[tilespmem:s1+$0x10] =	vst v0  }
0xe5: {  	v0 =	vld [tilespmem:s0+$0x20]  }
0xe6: {  	v1 =	vld [tilespmem:s31+$0x20];
	_ =	sdelay $0x4  }
0xe7: {  	v0 =	vadd.f32 v1, v0;
	_ =	sdelay $0x1  }
0xe8: {  	[tilespmem:s1+$0x20] =	vst v0  }
0xe9: {  	v0 =	vld [tilespmem:s0+$0x30]  }
0xea: {  	v1 =	vld [tilespmem:s31+$0x30];
	_ =	sdelay $0x4  }
0xeb: {  	v0 =	vadd.f32 v1, v0;
	_ =	sdelay $0x1  }
0xec: {  	[tilespmem:s1+$0x30] =	vst v0  }
0xed: {  	v0 =	vld [tilespmem:s0+$0x40]  }
0xee: {  	v1 =	vld [tilespmem:s31+$0x40];
	_ =	sdelay $0x4  }
0xef: {  	v0 =	vadd.f32 v1, v0;
	_ =	sdelay $0x1  }
0xf0: {  	[tilespmem:s1+$0x40] =	vst v0  }
0xf1: {  	v0 =	vld [tilespmem:s0+$0x50]  }
0xf2: {  	v1 =	vld [tilespmem:s31+$0x50];
	_ =	sdelay $0x4  }
0xf3: {  	v0 =	vadd.f32 v1, v0;
	_ =	sdelay $0x1  }
0xf4: {  	[tilespmem:s1+$0x50] =	vst v0  }
0xf5: {  	s15 =	simm.s32 $0xE880;
	v0 =	vld [tilespmem:s0+$0x60]  }
0xf6: {  	s16 =	simm.s32 $0x12880;
	s14 =	simm.s32 $0x0;
	s17 =	simm.s32 $0x16980;
	v1 =	vld [tilespmem:s31+$0x60]  }
.LBB2_5:
0xf7: {  	s14 =	sadd.s32 $0x4, s14;
	s0 =	sadd.s32 $0x100, s0;
	s31 =	sadd.s32 $0x100, s31  }
0xf8: {  	p1 =	slt.u32 s14, $0x7C;
	_ =	sdelay $0x2  }
0xf9: {  	v0 =	vadd.f32 v1, v0;
	_ =	sdelay $0x1  }
0xfa: {  	[tilespmem:s1+$0x60] =	vst v0  }
0xfb: {  	v0 =	vld [tilespmem:s15+$0x70];
	s15 =	smov.u32 s0  }
0xfc: {  	v1 =	vld [tilespmem:s16+$0x70];
	s16 =	smov.u32 s31;
	_ =	sdelay $0x4  }
0xfd: {  	v0 =	vadd.f32 v1, v0;
	_ =	sdelay $0x1  }
0xfe: {  	[tilespmem:s1+$0x70] =	vst v0;
	s1 =	smov.u32 s17  }
0xff: {  	v0 =	vld [tilespmem:s0+$0xFFFFFF80]  }
0x100: {  	v1 =	vld [tilespmem:s31+$0xFFFFFF80];
	_ =	sdelay $0x4  }
0x101: {  	v0 =	vadd.f32 v1, v0;
	_ =	sdelay $0x1  }
0x102: {  	[tilespmem:s17+$0xFFFFFF80] =	vst v0  }
0x103: {  	v0 =	vld [tilespmem:s31+$0xFFFFFF90]  }
0x104: {  	v1 =	vld [tilespmem:s0+$0xFFFFFF90];
	_ =	sdelay $0x4  }
0x105: {  	v0 =	vadd.f32 v0, v1;
	_ =	sdelay $0x1  }
0x106: {  	[tilespmem:s17+$0xFFFFFF90] =	vst v0  }
0x107: {  	v0 =	vld [tilespmem:s0+$0xFFFFFFA0]  }
0x108: {  	v1 =	vld [tilespmem:s31+$0xFFFFFFA0];
	_ =	sdelay $0x4  }
0x109: {  	v0 =	vadd.f32 v1, v0;
	_ =	sdelay $0x1  }
0x10a: {  	[tilespmem:s17+$0xFFFFFFA0] =	vst v0  }
0x10b: {  	v0 =	vld [tilespmem:s0+$0xFFFFFFB0]  }
0x10c: {  	v1 =	vld [tilespmem:s31+$0xFFFFFFB0];
	_ =	sdelay $0x4  }
0x10d: {  	v0 =	vadd.f32 v1, v0;
	_ =	sdelay $0x1  }
0x10e: {  	[tilespmem:s17+$0xFFFFFFB0] =	vst v0  }
0x10f: {  	v0 =	vld [tilespmem:s0+$0xFFFFFFC0]  }
0x110: {  	v1 =	vld [tilespmem:s31+$0xFFFFFFC0];
	_ =	sdelay $0x4  }
0x111: {  	v0 =	vadd.f32 v1, v0;
	_ =	sdelay $0x1  }
0x112: {  	[tilespmem:s17+$0xFFFFFFC0] =	vst v0  }
0x113: {  	v0 =	vld [tilespmem:s0+$0xFFFFFFD0]  }
0x114: {  	v1 =	vld [tilespmem:s31+$0xFFFFFFD0];
	_ =	sdelay $0x4  }
0x115: {  	v0 =	vadd.f32 v1, v0;
	_ =	sdelay $0x1  }
0x116: {  	[tilespmem:s17+$0xFFFFFFD0] =	vst v0  }
0x117: {  	v0 =	vld [tilespmem:s0+$0xFFFFFFE0]  }
0x118: {  	v1 =	vld [tilespmem:s31+$0xFFFFFFE0];
	_ =	sdelay $0x4  }
0x119: {  	v0 =	vadd.f32 v1, v0;
	_ =	sdelay $0x1  }
0x11a: {  	[tilespmem:s17+$0xFFFFFFE0] =	vst v0  }
0x11b: {  	v0 =	vld [tilespmem:s0+$0xFFFFFFF0]  }
0x11c: {  	v1 =	vld [tilespmem:s31+$0xFFFFFFF0];
	_ =	sdelay $0x4  }
0x11d: {  	v0 =	vadd.f32 v1, v0;
	_ =	sdelay $0x1  }
0x11e: {  	[tilespmem:s17+$0xFFFFFFF0] =	vst v0  }
0x11f: {  	v0 =	vld [tilespmem:s0+$0x0]  }
0x120: {  	v1 =	vld [tilespmem:s31+$0x0];
	_ =	sdelay $0x4  }
0x121: {  	v0 =	vadd.f32 v1, v0;
	_ =	sdelay $0x1  }
0x122: {  	[tilespmem:s17+$0x0] =	vst v0  }
0x123: {  	v0 =	vld [tilespmem:s0+$0x10]  }
0x124: {  	v1 =	vld [tilespmem:s31+$0x10];
	_ =	sdelay $0x4  }
0x125: {  	v0 =	vadd.f32 v1, v0;
	_ =	sdelay $0x1  }
0x126: {  	[tilespmem:s17+$0x10] =	vst v0  }
0x127: {  	v0 =	vld [tilespmem:s0+$0x20]  }
0x128: {  	v1 =	vld [tilespmem:s31+$0x20];
	_ =	sdelay $0x4  }
0x129: {  	v0 =	vadd.f32 v1, v0;
	_ =	sdelay $0x1  }
0x12a: {  	[tilespmem:s17+$0x20] =	vst v0  }
0x12b: {  	v0 =	vld [tilespmem:s0+$0x30]  }
0x12c: {  	v1 =	vld [tilespmem:s31+$0x30];
	_ =	sdelay $0x4  }
0x12d: {  	v0 =	vadd.f32 v1, v0;
	_ =	sdelay $0x1  }
0x12e: {  	[tilespmem:s17+$0x30] =	vst v0  }
0x12f: {  	v0 =	vld [tilespmem:s0+$0x40]  }
0x130: {  	v1 =	vld [tilespmem:s31+$0x40];
	_ =	sdelay $0x4  }
0x131: {  	v0 =	vadd.f32 v1, v0;
	_ =	sdelay $0x1  }
0x132: {  	[tilespmem:s17+$0x40] =	vst v0  }
0x133: {  	v0 =	vld [tilespmem:s0+$0x50]  }
0x134: {  	v1 =	vld [tilespmem:s31+$0x50];
	_ =	sdelay $0x4  }
.Ltmp1:
0x135: {  	v0 =	vadd.f32 v1, v0;
	(pc) =	sbr.rel @p1 .LBB2_5-.Ltmp1, $4  }
0x136: {  	_ = 	snop  }
0x137: {  	[tilespmem:s17+$0x50] =	vst v0  }
0x138: {  	v0 =	vld [tilespmem:s0+$0x60]  }
0x139: {  	s17 =	sadd.s32 $0x100, s17;
	v1 =	vld [tilespmem:s31+$0x60]  }
0x13a: {  	_ =	sdelay $0x3  }
0x13b: {  	v0 =	vadd.f32 v1, v0;
	_ =	sdelay $0x1  }
0x13c: {  	[tilespmem:s1+$0x60] =	vst v0  }
0x13d: {  	v0 =	vld [tilespmem:s15+$0x70]  }
0x13e: {  	v63 =	vld [tilespmem:s16+$0x70];
	_ =	sdelay $0x4  }
0x13f: {  	v0 =	vadd.f32 v63, v0;
	_ =	sdelay $0x1  }
0x140: {  	s0 =	sadd.s32 @!p0 $0x180, s30;
	s14 =	simm.s32 @!p0 $0xE800;
	[tilespmem:s1+$0x70] =	vst v0;
	s1 =	simm.s32 @!p0 $0x80  }
0x141: {  	[tilespmem:s14], [sflag:$0x2] =	stream.indirect.gather @!p0 [hbm4b:s4+s1], $0x40, s0, s1, $0xb8;
	[tilespmem:$0x18800] =	vst v63  }
0x142: {  	s29 =	sadd.s32 $0x1, s29;
	s0 =	sadd.s32 @!p0 $0x6580, s30;
	s14 =	simm.s32 @!p0 $0x12800  }
0x143: {  	[tilespmem:s14], [sflag:$0x4] =	stream.indirect.gather @!p0 [hbm4b:s5+s1], $0x40, s0, s1, $0xb8;
	[tilespmem:$0x18800] =	vst v63  }
0x144: {  	p0 =	sne.s32 s29, $0x64  }
.Ltmp2:
0x145: {  	s31 =	sadd.s32 s30, s9;
	(pc) =	sbr.rel @p0 .LBB2_2-.Ltmp2, $4  }
0x146: {  	s0 =	sshll.u32 s31, $0x3  }
0x147: {  	s0 =	sand.u32 $0x1FFFFC00, s0  }
0x148: {  	s0 =	sadd.s32 s2, s0  }
0x149: {  	[hbm4b:s0+s3] =	stream.linear.scatter [tilespmem:s24], [sflag:$0x6], $0x2000, $0x38;
	[tilespmem:$0x18800] =	vst v63  }
0x14a: {  	s28 =	sadd.s32 $0x1, s28  }
0x14b: {  	_ =	swait.ge [sflag:s25], $0x2000;
	p0 =	sne.s32 s28, s10  }
.Ltmp3:
0x14c: {  	[sflag:s25] =	ssyncset.done $0x0;
	(pc) =	sbr.rel @p0 .LBB2_1-.Ltmp3, $4  }
0x14d: {  	[sflag:s25] =	ssyncadd.s32 $0xFFFFE000  }
0x14e: {  	_ =	swait.ge [sflag:s26], $0x2000  }
0x14f: {  	[sflag:s26] =	ssyncset.done $0x0  }
0x150: {  	[sflag:s26] =	ssyncadd.s32 $0xFFFFE000  }
0x151: {  	_ =	sfence.sel $0x180000  }
0x152: {  	[bflag:$0x0] =	sbarrier.arrive $0xFFFF  }
0x153: {  	_ =	strace $0x90000047  }
0x154: {  	s0 =	stileid.u32;
	[bflag:$0x2] =	sbarrier.arrive $0xFFFF  }
0x155: {  	p0 =	sne.s32 s0, $0x0;
	s0 =	rddreg [dreg:$0x2]  }
0x156: {  	s0 =	sadd.s32 @!p0 $0x100000, s0  }
0x157: {  	[sflag:s0] =	ssyncadd.tile.s32 @!p0 $0x1;
	_ =	shalt  }
.Lfunc_end2:
_tile_overlayer_lowered:
.L_overlay_start_2:
0x158: {  	(tag) =	ssettag $0x2  }
0x159: {  	s0 =	rddreg [dreg:$0x0];
	s2 =	stileid.u32  }
0x15a: {  	s1 =	rddreg [dreg:$0x1];
	p0 =	sne.s32 s2, $0x0  }
0x15b: {  	s3 =	rddreg [dreg:$0x2];
	[bflag:$0x3] =	sbarrier.arrive $0xFFFF;
	s2 =	simm.s32 @!p0 $0x1C07  }
0x15c: {  	[timem:s3], [sflag:s2] =	dma.local @!p0 [hbm:s0], s1  }
0x15d: {  	s0 =	simm.s32 @!p0 $0x7  }
0x15e: {  	_ =	swait.ge @!p0 [sflag:s0], s1  }
0x15f: {  	s1 =	ssub.s32 @!p0 $0x0, s1;
	[sflag:s0] =	ssyncset.done @!p0 $0x0  }
0x160: {  	[sflag:s0] =	ssyncadd.s32 @!p0 s1  }
0x161: {  	[bflag:$0x3] =	sbarrier.arrive $0xFFFF  }
0x162: {  	_ =	shalt  }

// kernel: sparse-core-data-format-call.cloned.1.call-start
scs
called_computation_lowered:
.L_overlay_start_0:
0x0: {  	s2 =	sld [smem:$0x3FD9]  }
0x1: {  	s3 =	sld [smem:$0x3FFE];
	_ =	sdelay $0x1  }
0x2: {  	s1 =	srdreg.scid  }
0x3: {  	s0 =	sand.u32 $0x1, s1  }
0x4: {  	s18 =	sshll.u32 s0, $0xA;
	s2 =	sadd.s32 s3, s2  }
0x5: {  	s2 =	sadd.s32 s2, s18  }
0x6: {  	[smem:$0x3FC3] =	sst s2  }
0x7: {  	_ = 	snop  }
0x8: {  	s2 =	sld [smem:$0x3FD0];
	(tm) =	ssettm $0x1  }
0x9: {  	s19 =	sld [smem:$0x3FFB];
	_ =	sdelay $0x3  }
0xa: {  	_ =	strace s19  }
0xb: {  	s3 =	sld [smem:$0x3FFC];
	_ =	sdelay $0x3  }
0xc: {  	_ =	strace s3  }
0xd: {  	s3 =	sld [smem:$0x3FFD];
	_ =	sdelay $0x3  }
0xe: {  	_ =	strace s3  }
0xf: {  	_ =	strace $0x8FFFFFFF  }
0x10: {  	s20 =	sld [smem:$0x3FDB];
	_ =	sdelay $0x1  }
0x11: {  	s4 =	simm.s32 $_scs_section_size  }
0x12: {  	s5 =	simm.s32 $_size__tile_overlayer_lowered;
	s6 =	simm.s32 $_tile_overlayer_lowered  }
0x13: {  	s23 =	simm.s32 $0x1BFF;
	s22 =	sshll.u32 s6, $0x1;
	s3 =	sadd.s32 s4, s20  }
0x14: {  	s7 =	simm.s32 $0x0;
	s21 =	sshll.u32 s5, $0x1;
	s5 =	sadd.s32 s22, s3  }
0x15: {  	[timem:s7], [sflag:s23] =	dma.local [hbm:s5], s21  }
0x16: {  	_ =	swait.ge [sflag:s23], s21  }
0x17: {  	s4 =	ssub.s32 $0x0, s21;
	[sflag:s23] =	ssyncset.done $0x0  }
0x18: {  	[sflag:s23] =	ssyncadd.s32 s4;
	_ =	sdelay $0x1  }
0x19: {  	s24 =	simm.s32 $0x1B8B  }
0x1a: {  	_ =	swait.ge [sflag:s24], $0x1  }
0x1b: {  	[sflag:s24] =	ssyncset.done $0x0  }
0x1c: {  	s26 =	simm.s32 $0x1B8E;
	s25 =	sld [smem:$0x3FFE];
	[sflag:s24] =	ssyncadd.s32 $0xFFFFFFFF  }
0x1d: {  	s27 =	simm.s32 $execute0_lowered;
	[smem:$0x3FD2] =	sst s26  }
0x1e: {  	s5 =	sshll.u32 s27, $0x1;
	_ =	strace $0x80000049;
	[dreg:$0x1] =	wrdreg $0xFFFFFFFF  }
0x1f: {  	s28 =	simm.s32 $_size_execute0_lowered;
	s3 =	sadd.s32 s3, s5;
	[dreg:$0x0] =	wrdreg $0x0  }
0x20: {  	s5 =	sshll.u32 s28, $0x1;
	[dreg:$0x2] =	wrdreg s3  }
0x21: {  	[dreg:$0x3] =	wrdreg s5  }
0x22: {  	[dreg:$0x4] =	wrdreg $0xC0  }
0x23: {  	_ =	task [dreg:s7], $0x5FFFF  }
0x24: {  	[dreg:$0x1] =	wrdreg $0xFFFFFFFF  }
0x25: {  	[dreg:$0x0] =	wrdreg $0x60  }
0x26: {  	[dreg:$0x2] =	wrdreg s25  }
0x27: {  	[dreg:$0x3] =	wrdreg s2  }
0x28: {  	[dreg:$0x4] =	wrdreg $0x9  }
0x29: {  	_ =	task.clear_ibuf [dreg:s7], $0x5FFFF;
	_ =	strace $0x90000049  }
0x2a: {  	s29 =	simm.s32 $0x9;
	_ =	strace $0x8000004B  }
0x2b: {  	_ =	swait.ge [sflag:s29], $0x1  }
0x2c: {  	[sflag:s29] =	ssyncadd.s32 $0xFFFFFFFF  }
0x2d: {  	_ =	strace $0x9000004B  }
0x2e: {  	_ =	sfence  }
0x2f: {  	s30 =	sld [smem:$0x0];
	_ =	sdelay $0x2  }
0x30: {  	s31 =	sshll.u32 s1, $0xD;
	s1 =	sshrl.u32 s1, $0x2  }
0x31: {  	s3 =	sand.u32 $0x4000, s31;
	s1 =	sadd.s32 s1, s30  }
0x32: {  	s0 =	sor.u32 s3, s0;
	s1 =	sshll.u32 s1, $0x11  }
0x33: {  	s0 =	sor.u32 s1, s0  }
0x34: {  	s0 =	sadd.s32 $0x8F2B, s0  }
0x35: {  	[sflag:s0] =	ssyncadd.remote.s32 $0x1  }
0x36: {  	_ =	sfence.sel $0xFFFF  }
0x37: {  	[dreg:$0x0] =	wrdreg $0xFFFFFFFF;
	(pc) =	sbr.abs _section_cstart, $3  }
0x38: {  	[dreg:$0x1] =	wrdreg $0xFFFFFFFF  }
0x39: {  	_ =	task.clear_ibuf [dreg:s7], $0x2FFFF;
	_ =	strace $0x9FFFFFFF  }
0x3a: {  	(tm) =	ssettm $0x7FFFFFFF  }
0x3b: {  	_ =	shalt  }
tec
execute0_lowered:
.L_overlay_start_1:
0x0: {  	(tag) =	ssettag $0x1  }
0x1: {  	s0 =	srdreg.scid  }
0x2: {  	s1 =	sshll.u32 s0, $0x4  }
0x3: {  	s0 =	stileid.u32;
	s1 =	sand.u32 $0x10, s1  }
0x4: {  	s1 =	sor.u32 s0, s1  }
0x5: {  	s6 =	rddreg [dreg:$0x0];
	s4 =	simm.s32 $0x1;
	s2 =	sshll.u32 s1, $0x7  }
0x6: {  	s7 =	simm.s32 $0x2;
	s12 =	simm.s32 $0x0;
	s1 =	ssub.s32 $0x1000, s2  }
0x7: {  	s8 =	simm.s32 $0x8000;
	s13 =	simm.s32 $0x0;
	s3 =	sand.u32 $0xF80, s1  }
0x8: {  	s9 =	simm.s32 $0x0;
	s5 =	sshrl.u32 s1, $0xC;
	p0 =	sne.s32 s3, $0x0  }
.Ltmp0:
0x9: {  	s1 =	rddreg [dreg:$0x2];
	s4 =	simm.s32 @!p0 $0x0;
	(pc) =	sbr.rel .LBB1_1-.Ltmp0, $4  }
0xa: {  	s11 =	simm.s32 $0x0;
	s3 =	rddreg [dreg:$0x1];
	s5 =	sadd.s32 s4, s5  }
0xb: {  	_ =	strace $0x8000004A;
	s4 =	simm.s32 $0x1;
	s5 =	smul.u32 $0xC8, s5  }
0xc: {  	s6 =	sadd.s32 $0x1000, s6;
	s10 =	smov.u32 s2;
	[sflag:s4] =	ssyncpa.u1 $0x0  }
0xd: {  	p0 =	por $0x0, $0x0;
	[sflag:s7] =	ssyncpa.u1 $0x0;
	s7 =	sor.u32 $0x1, s5  }
.LBB1_4:
0xe: {  	s16 =	sshll.u32 s13, $0x3;
	s17 =	sand.u32 $0x78, s13  }
0xf: {  	s30 =	sand.u32 $0x7E00, s13;
	s12 =	sshll.u32 s12, $0xF;
	s16 =	sand.u32 $0xC00, s16  }
0x10: {  	[tilespmem:s15+$0x810 ss:$0x81] =	vst.msk $0xffff, v2;
	s31 =	sand.u32 $0x7, s13;
	s16 =	sor.u32 s17, s16;
	s17 =	sadd.s32 s3, s30  }
0x11: {  	[tilespmem:s15+$0x1020 ss:$0x81] =	vst.msk $0xffff, v0;
	s13 =	sshll.u32 s31, $0x12;
	s12 =	sadd.s32 s12, s17;
	s16 =	sshrl.u32 s16, $0x3  }
0x12: {  	[tilespmem:s15+$0x0 ss:$0x81] =	vst.msk $0xffff, v1;
	s13 =	sor.u32 $0x400, s13;
	s12 =	sadd.s32 s16, s12  }
0x13: {  	[hbm4b:s12+s13] =	stream.strided.scatter [tilespmem:s14], [sflag:$0x2], $0x2000, s8, s13, $0x20;
	[tilespmem:$0x8080] =	vst v63  }
.LBB1_5:
0x14: {  	s14 =	sadd.s32 $0x1, s9  }
0x15: {  	s12 =	sadd.s32 $0x1000, s10;
	s16 =	smov.u32 s10;
	p2 =	sgt.s32 s14, $0xC7  }
0x16: {  	s16 =	smov.u32 @p2 s12  }
0x17: {  	s14 =	simm.s32 @p2 $0x0;
	p2 =	sgt.s32 s16, $0xFFF  }
0x18: {  	s16 =	smov.u32 @p2 s2;
	p2 =	sne.s32 s11, s7  }
.Ltmp1:
0x19: {  	p1 =	slt.u32 s11, $0x2;
	(pc) =	sbr.rel @!p2 .LBB1_6-.Ltmp1, $4  }
0x1a: {  	s15 =	simm.s32 @!p1 $0x2  }
0x1b: {  	s13 =	smov.u32 s10;
	p0 =	por !p0, !p0;
	_ =	swait.ge @!p1 [sflag:s15], $0x2000  }
0x1c: {  	s12 =	smov.u32 s9;
	[sflag:s15] =	ssyncset.done @!p1 $0x0;
	s9 =	smov.u32 s14  }
0x1d: {  	s11 =	sadd.s32 $0x1, s11;
	[sflag:s15] =	ssyncadd.s32 @!p1 $0xFFFFE000;
	s10 =	smov.u32 s16  }
.LBB1_1:
0x1e: {  	p1 =	sge.u32 s11, s5  }
0x1f: {  	s14 =	sand.u32 @!p1 $0x1FFFFFF, s9  }
0x20: {  	s15 =	smulhi.u32 @!p1 $0x147AE15, s14;
	_ =	sdelay $0x1  }
0x21: {  	s15 =	smul.u32 @!p1 $0xC8, s15  }
0x22: {  	s16 =	sxor.u32 @!p1 $0xFFFFFFFF, s11;
	s17 =	smul.u32 @!p1 $0xC80, s10  }
0x23: {  	s31 =	sadd.s32 $0xFFFFFFFF, s11;
	s16 =	sshll.u32 @!p1 s16, $0xD;
	s14 =	ssub.s32 @!p1 s14, s15  }
0x24: {  	s15 =	sand.u32 @!p1 $0x2000, s16;
	s16 =	sadd.s32 @!p1 s6, s17;
	s14 =	sshll.u32 @!p1 s14, $0x4  }
0x25: {  	s17 =	simm.s32 @!p1 $0x6400;
	s14 =	sadd.s32 @!p1 s14, s16;
	s16 =	simm.s32 @!p1 $0x40  }
0x26: {  	[tilespmem:s15], [sflag:$0x1] =	stream.strided.gather @!p1 [hbm4b:s14+s16], $0x2000, s17, s16, $0x38;
	[tilespmem:$0x8080] =	vst v63  }
0x27: {  	p1 =	sge.u32 s31, s5  }
.Ltmp2:
0x28: {  	_ = 	snop;
	(pc) =	sbr.rel @p1 .LBB1_5-.Ltmp2, $1  }
0x29: {  	_ =	sdelay $0x3  }
0x2a: {  	s14 =	simm.s32 $0x1  }
0x2b: {  	_ =	swait.ge [sflag:s4], $0x2000;
	s14 =	simm.s32 @!p0 $0x0  }
0x2c: {  	[sflag:s4] =	ssyncset.done $0x0;
	s15 =	sshll.u32 s14, $0xD  }
0x2d: {  	[sflag:s4] =	ssyncadd.s32 $0xFFFFE000;
	s18 =	sor.u32 $0x20, s15  }
0x2e: {  	s14 =	smul.u32 $0x8100, s14;
	v3 =	vld [tilespmem:s18+$0x10]  }
0x2f: {  	s30 =	sand.u32 $0x1, s11;
	v2 =	vld [tilespmem:s18+$0xFFFFFFF0]  }
0x30: {  	s15 =	smul.u32 $0x8100, s30;
	s14 =	sshrl.u32 s14, $0x2;
	v0 =	vld [tilespmem:s18+$0x0]  }
0x31: {  	v1 =	vld [tilespmem:s18+$0xFFFFFFE0];
	s16 =	sor.u32 $0x4000, s14  }
0x32: {  	s31 =	sshrl.u32 s15, $0x2;
	s15 =	sadd.s32 $0x0, s16  }
0x33: {  	s17 =	simm.s32 $0x4;
	s18 =	sadd.s32 $0x40, s18;
	s14 =	sor.u32 $0x4000, s31;
	[tilespmem:s15+$0x1830 ss:$0x81] =	vst.msk $0xffff, v3  }
.LBB1_3:
0x34: {  	v3 =	vld [tilespmem:s18+$0x10];
	p1 =	sne.s32 s17, $0x1FC;
	[tilespmem:s15+$0x810 ss:$0x81] =	vst.msk $0xffff, v2;
	s19 =	smov.u32 s17;
	s17 =	sadd.s32 $0x4, s17  }
.Ltmp3:
0x35: {  	v2 =	vld [tilespmem:s18+$0xFFFFFFF0];
	[tilespmem:s15+$0x1020 ss:$0x81] =	vst.msk $0xffff, v0;
	(pc) =	sbr.rel @p1 .LBB1_3-.Ltmp3, $4  }
0x36: {  	v0 =	vld [tilespmem:s18+$0x0];
	[tilespmem:s15+$0x0 ss:$0x81] =	vst.msk $0xffff, v1  }
0x37: {  	s15 =	sshra.s32 s19, $0x2;
	v1 =	vld [tilespmem:s18+$0xFFFFFFE0]  }
0x38: {  	s15 =	sadd.s32 s15, s16  }
0x39: {  	s18 =	sadd.s32 $0x40, s18;
	[tilespmem:s15+$0x1830 ss:$0x81] =	vst.msk $0xffff, v3  }
.Ltmp4:
0x3a: {  	_ = 	snop;
	(pc) =	sbr.rel .LBB1_4-.Ltmp4, $1  }
0x3b: {  	_ =	sdelay $0x3  }
.LBB1_6:
0x3c: {  	_ =	sfence.sel $0x180000  }
0x3d: {  	s2 =	simm.s32 $0x1;
	[bflag:$0x0] =	sbarrier.arrive $0xFFFF  }
0x3e: {  	s31 =	simm.s32 $0x2;
	[sflag:s2] =	ssyncpa.u1 $0x1  }
0x3f: {  	[sflag:s31] =	ssyncpa.u1 $0x1  }
0x40: {  	p0 =	sne.s32 s0, $0x0;
	_ =	strace $0x9000004A  }
0x41: {  	s0 =	sadd.s32 @!p0 $0x100000, s1;
	[bflag:$0x2] =	sbarrier.arrive $0xFFFF  }
0x42: {  	[sflag:s0] =	ssyncadd.tile.s32 @!p0 $0x1;
	_ =	shalt  }
.Lfunc_end1:
_tile_overlayer_lowered:
.L_overlay_start_2:
0x43: {  	(tag) =	ssettag $0x2  }
0x44: {  	s0 =	rddreg [dreg:$0x0];
	s2 =	stileid.u32  }
0x45: {  	s1 =	rddreg [dreg:$0x1];
	p0 =	sne.s32 s2, $0x0  }
0x46: {  	s3 =	rddreg [dreg:$0x2];
	[bflag:$0x3] =	sbarrier.arrive $0xFFFF;
	s2 =	simm.s32 @!p0 $0x1C01  }
0x47: {  	[timem:s3], [sflag:s2] =	dma.local @!p0 [hbm:s0], s1  }
0x48: {  	s0 =	simm.s32 @!p0 $0x1  }
0x49: {  	_ =	swait.ge @!p0 [sflag:s0], s1  }
0x4a: {  	s1 =	ssub.s32 @!p0 $0x0, s1;
	[sflag:s0] =	ssyncset.done @!p0 $0x0  }
0x4b: {  	[sflag:s0] =	ssyncadd.s32 @!p0 s1  }
0x4c: {  	[bflag:$0x3] =	sbarrier.arrive $0xFFFF  }
0x4d: {  	_ =	shalt  }

</sc_bundles>
